<compile_context>
chip_gen: v7x
topology: tpu7x:2x2x1
jax: 0.10.2.dev20260603
libtpu: 0.0.44.dev20260713+nightly
codegen_flags: <defaults>
</compile_context>

<pallas_src>
import functools

import jax
import jax.numpy as jnp
from jax import lax
from jax.experimental import pallas as pl
from jax.experimental.pallas import tpu as pltpu
from jax.experimental.pallas import tpu_sc as plsc

_NC, _NS, _L = 2, 16, 16
_K = 8
_INV_R2 = 1.0 / (0.01 * 0.01)
_HI = -65536


def _sc_render(idx2, d2, t01, t2p):
    nrow, wk = idx2.shape
    w = wk // _K
    npoints = t01.shape[0]
    rows_per_tile = nrow // _NS
    ngrp = w // _L
    mesh = plsc.VectorSubcoreMesh(core_axis_name="c", subcore_axis_name="s")

    @functools.partial(
        pl.kernel,
        out_type=(
            jax.ShapeDtypeStruct((nrow, w * 2), jnp.float32),
            jax.ShapeDtypeStruct((nrow, w), jnp.float32),
        ),
        mesh=mesh,
        compiler_params=pltpu.CompilerParams(
            needs_layout_passes=False, use_tc_tiling_on_sc=False
        ),
        scratch_types=[
            pltpu.VMEM((npoints,), jnp.int32),
            pltpu.VMEM((wk,), jnp.int32),
            pltpu.VMEM((wk,), jnp.int32),
            pltpu.VMEM((wk,), jnp.float32),
            pltpu.VMEM((wk,), jnp.float32),
            pltpu.VMEM((w * 2,), jnp.float32),
            pltpu.VMEM((w * 2,), jnp.float32),
            pltpu.VMEM((w,), jnp.float32),
            pltpu.VMEM((w,), jnp.float32),
            pltpu.SemaphoreType.DMA,
            pltpu.SemaphoreType.DMA,
            pltpu.SemaphoreType.DMA,
            pltpu.SemaphoreType.DMA,
        ],
    )
    def k(idx_hbm, d_hbm, t01_hbm, t2p_hbm, o01_hbm, o2_hbm,
          tbl, iv0, iv1, dv0, dv1, a0_, a1_, b0_, b1_,
          si0, si1, sd0, sd1):
        cid = lax.axis_index("c")
        sid = lax.axis_index("s")
        wrow = sid * rows_per_tile
        idx_v = (iv0, iv1)
        d_v = (dv0, dv1)
        o01_v = (a0_, a1_)
        o2_v = (b0_, b1_)
        sem_i = (si0, si1)
        sem_d = (sd0, sd1)
        iota = lax.iota(jnp.int32, _L)
        iota8 = iota * _K
        iota2 = iota * 2

        @pl.when(cid == 0)
        def _():
            pltpu.sync_copy(t01_hbm, tbl)

        @pl.when(cid == 1)
        def _():
            pltpu.sync_copy(t2p_hbm, tbl)

        def copyin_idx(j, s):
            pltpu.async_copy(idx_hbm.at[wrow + j], idx_v[s], sem_i[s])

        def copyin_d(j, s):
            pltpu.async_copy(d_hbm.at[wrow + j], d_v[s], sem_d[s])

        def wait_idx(j, s):
            pltpu.make_async_copy(
                idx_hbm.at[wrow + j], idx_v[s], sem_i[s]).wait()

        def wait_d(j, s):
            pltpu.make_async_copy(
                d_hbm.at[wrow + j], d_v[s], sem_d[s]).wait()

        def compute01(s):
            iv = idx_v[s]
            dv = d_v[s]
            ov = o01_v[s]

            @pl.loop(0, ngrp)
            def _group(g):
                w0 = g * _L
                den = jnp.full((_L,), 1e-10, jnp.float32)
                a0 = jnp.zeros((_L,), jnp.float32)
                a1 = jnp.zeros((_L,), jnp.float32)
                for kk in range(_K):
                    off = kk * w + w0
                    pid = iv[pl.ds(off, _L)]
                    d = dv[pl.ds(off, _L)]
                    wgt = 1.0 - d * _INV_R2
                    den = den + wgt
                    wv = plsc.load_gather(tbl, [pid])
                    f0 = plsc.bitcast(wv & _HI, jnp.float32)
                    f1 = plsc.bitcast(wv << 16, jnp.float32)
                    a0 = a0 + wgt * f0
                    a1 = a1 + wgt * f1
                inv = 1.0 / den
                ov[pl.ds(w0, _L)] = a0 * inv
                ov[pl.ds(w + w0, _L)] = a1 * inv

        def compute2(s):
            iv = idx_v[s]
            dv = d_v[s]
            ov = o2_v[s]

            @pl.loop(0, ngrp)
            def _group(g):
                w0 = g * _L
                den = jnp.full((_L,), 1e-10, jnp.float32)
                a2 = jnp.zeros((_L,), jnp.float32)
                for kk in range(_K):
                    off = kk * w + w0
                    pid = iv[pl.ds(off, _L)]
                    d = dv[pl.ds(off, _L)]
                    wgt = 1.0 - d * _INV_R2
                    den = den + wgt
                    wv = plsc.load_gather(tbl, [pid >> 1])
                    sh = (1 - (pid & 1)) << 4
                    f2 = plsc.bitcast((wv << sh) & _HI, jnp.float32)
                    a2 = a2 + wgt * f2
                inv = 1.0 / den
                ov[pl.ds(w0, _L)] = a2 * inv

        copyin_idx(0, 0)
        copyin_d(0, 0)

        @pl.loop(0, rows_per_tile, step=2)
        def _pair(ci):
            for b in range(2):
                j = ci + b
                s = b

                @pl.when(j + 1 <= rows_per_tile - 1)
                def _():
                    copyin_idx(j + 1, 1 - s)
                    copyin_d(j + 1, 1 - s)

                wait_idx(j, s)
                wait_d(j, s)

                @pl.when(cid == 0)
                def _():
                    compute01(s)
                    pltpu.sync_copy(o01_v[s], o01_hbm.at[wrow + j])

                @pl.when(cid == 1)
                def _():
                    compute2(s)
                    pltpu.sync_copy(o2_v[s], o2_hbm.at[wrow + j])

    return k(idx2, d2, t01, t2p)


def kernel(idx, dists, features_packed):
    b, h, w, kk = idx.shape
    idx2 = jnp.transpose(idx, (0, 1, 3, 2)).reshape(b * h, kk * w)
    idx2 = idx2.astype(jnp.int32)
    d2 = jnp.transpose(dists, (0, 1, 3, 2)).reshape(b * h, kk * w)
    fb = lax.bitcast_convert_type(
        features_packed.astype(jnp.bfloat16), jnp.uint16
    ).astype(jnp.int32)
    t01 = (fb[:, 0] << 16) | fb[:, 1]
    c2 = fb[:, 2]
    t2p = (c2[1::2] << 16) | c2[0::2]
    t2p_full = jnp.concatenate([t2p, jnp.zeros_like(t2p)])
    out01, out2 = _sc_render(idx2, d2, t01, t2p_full)
    planes = jnp.concatenate(
        [out01.reshape(b, h, 2, w), out2.reshape(b, h, 1, w)], axis=2
    )
    images = jnp.transpose(planes, (0, 1, 3, 2))
    return images, idx, dists

# --- scband reference (transcript-rebuilt; emitter-appended) ---
"""Pipeline reference for scband-points-renderer-with-fragments-19774029431166 (READ-ONLY COPY).

The authoritative reference and input builder live on the scoring server;
editing this copy changes nothing except your own understanding.
"""

import jax, jax.numpy as jnp
import numpy as np

RADIUS = 0.01
B, H, W, K = 2, 512, 512, 8
P, C = 100000, 3

def setup_inputs(seed: int = 0) -> dict:
    key = jax.random.key(seed)
    k1, k2, k3 = jax.random.split(key, 3)
    # fragments.idx: index of the K nearest points per pixel (-1 = empty; here all valid)
    idx = jax.random.randint(k1, (B, H, W, K), 0, P, dtype=jnp.int64)
    # fragments.dists: squared distance in NDC from pixel to point, in [0, r^2)
    dists = jax.random.uniform(k2, (B, H, W, K), dtype=jnp.float32) * (RADIUS * RADIUS)
    # point cloud packed features [P, C]
    features_packed = jax.random.normal(k3, (P, C), dtype=jnp.float32)
    return {"idx": idx, "dists": dists, "features_packed": features_packed}

def reference(idx, dists, features_packed):
    r = RADIUS
    # dists2 = fragments.dists.permute(0, 3, 1, 2) -> [B, K, H, W]
    dists2 = jnp.transpose(dists, (0, 3, 1, 2))
    weights = 1.0 - dists2 / (r * r)  # [B, K, H, W]
    # fragments.idx.long().permute(0, 3, 1, 2) -> [B, K, H, W]
    idx_p = jnp.transpose(idx, (0, 3, 1, 2))
    # features_packed().permute(1, 0) -> [C, P]
    feats = jnp.transpose(features_packed, (1, 0))
    # NormWeightedCompositor: normalized weighted sum of gathered point features
    mask = (idx_p >= 0)
    safe_idx = jnp.where(mask, idx_p, 0)
    gathered = jnp.take(feats, safe_idx, axis=1)  # [C, B, K, H, W]
    w = jnp.where(mask, weights, 0.0)             # [B, K, H, W]
    num = jnp.sum(gathered * w[None, :, :, :, :], axis=2)  # [C, B, H, W]
    denom = jnp.sum(w, axis=1) + 1e-10                     # [B, H, W]
    images = num / denom[None, :, :, :]                    # [C, B, H, W]
    images = jnp.transpose(images, (1, 0, 2, 3))           # [B, C, H, W]
    # images.permute(0, 2, 3, 1)
    images = jnp.transpose(images, (0, 2, 3, 1))           # [B, H, W, C]
    # return (images, fragments) -> fragments returned as its (idx, dists) tensors
    return (images, idx, dists)

if __name__ == "__main__":
    import jax
    _d = setup_inputs()
    print(jax.jit(kernel)(*tuple(_d.values())))

</pallas_src>

<mosaic_0001>
#map = affine_map<(d0, d1) -> (0, 0)>
#map1 = affine_map<(d0, d1) -> (0)>
module attributes {stable_mosaic.version = 14 : i64} {
  func.func @k(%arg0: i32, %arg1: i32, %arg2: memref<1024x4096xi32, #tpu.memory_space<hbm>>, %arg3: memref<1024x4096xf32, #tpu.memory_space<hbm>>, %arg4: memref<100000xi32, #tpu.memory_space<hbm>>, %arg5: memref<100000xi32, #tpu.memory_space<hbm>>, %arg6: memref<1024x1024xf32, #tpu.memory_space<hbm>>, %arg7: memref<1024x512xf32, #tpu.memory_space<hbm>>, %arg8: memref<100000xi32, #tpu.memory_space<vmem>>, %arg9: memref<4096xi32, #tpu.memory_space<vmem>>, %arg10: memref<4096xi32, #tpu.memory_space<vmem>>, %arg11: memref<4096xf32, #tpu.memory_space<vmem>>, %arg12: memref<4096xf32, #tpu.memory_space<vmem>>, %arg13: memref<1024xf32, #tpu.memory_space<vmem>>, %arg14: memref<1024xf32, #tpu.memory_space<vmem>>, %arg15: memref<512xf32, #tpu.memory_space<vmem>>, %arg16: memref<512xf32, #tpu.memory_space<vmem>>, %arg17: memref<!tpu.dma_semaphore, #tpu.memory_space<semaphore_mem>>, %arg18: memref<!tpu.dma_semaphore, #tpu.memory_space<semaphore_mem>>, %arg19: memref<!tpu.dma_semaphore, #tpu.memory_space<semaphore_mem>>, %arg20: memref<!tpu.dma_semaphore, #tpu.memory_space<semaphore_mem>>) attributes {dimension_semantics = [#tpu.dimension_semantics<core_parallel>, #tpu.dimension_semantics<subcore_parallel>], iteration_bounds = array<i64: 2, 16>, scalar_prefetch = 0 : i64, scratch_operands = 13 : i64, tpu.core_type = #tpu.core_type<sc_vector_subcore>, window_params = [{transform_indices = #map}, {transform_indices = #map}, {transform_indices = #map1}, {transform_indices = #map1}, {transform_indices = #map}, {transform_indices = #map}]} {
    %mul3A = arith.constant 64 : i32
    %mul3A_0 = arith.muli %arg1, %mul3A : i32
    %iota3A = tpu.iota {dimensions = array<i32: 0>} : vector<16xi32>
    %mul3A_1 = arith.constant 8 : i32
    %mul3A_2 = vector.broadcast %mul3A_1 : i32 to vector<16xi32>
    %mul3A_3 = arith.muli %iota3A, %mul3A_2 : vector<16xi32>
    %mul3A_4 = arith.constant 2 : i32
    %mul3A_5 = vector.broadcast %mul3A_4 : i32 to vector<16xi32>
    %mul3A_6 = arith.muli %iota3A, %mul3A_5 : vector<16xi32>
    %eq3A = arith.constant 0 : i32
    %eq3A_7 = arith.cmpi eq, %arg0, %eq3A : i32
    %convert_element_type3A = arith.extui %eq3A_7 : i1 to i32
    %cond3A = arith.constant 0 : i32
    %cond3A_8 = arith.cmpi ne, %convert_element_type3A, %cond3A : i32
    scf.if %cond3A_8 {
      "tpu.region"() ({
        %run_scoped3A = tpu.sem_alloc : memref<!tpu.dma_semaphore, #tpu.memory_space<semaphore_mem>>
        tpu.enqueue_dma source(%arg4 : memref<100000xi32, #tpu.memory_space<hbm>>) target(%arg8 : memref<100000xi32, #tpu.memory_space<vmem>>) target_semaphore(%run_scoped3A : memref<!tpu.dma_semaphore, #tpu.memory_space<semaphore_mem>>)
        tpu.wait_dma2 semaphore(%run_scoped3A : memref<!tpu.dma_semaphore, #tpu.memory_space<semaphore_mem>>) src(%arg4 : memref<100000xi32, #tpu.memory_space<hbm>>) dst(%arg8 : memref<100000xi32, #tpu.memory_space<vmem>>)
        tpu.yield
      }) : () -> ()
    } else {
    }
    %eq3A_9 = arith.constant 1 : i32
    %eq3A_10 = arith.cmpi eq, %arg0, %eq3A_9 : i32
    %convert_element_type3A_11 = arith.extui %eq3A_10 : i1 to i32
    %cond3A_12 = arith.constant 0 : i32
    %cond3A_13 = arith.cmpi ne, %convert_element_type3A_11, %cond3A_12 : i32
    scf.if %cond3A_13 {
      "tpu.region"() ({
        %run_scoped3A = tpu.sem_alloc : memref<!tpu.dma_semaphore, #tpu.memory_space<semaphore_mem>>
        tpu.enqueue_dma source(%arg5 : memref<100000xi32, #tpu.memory_space<hbm>>) target(%arg8 : memref<100000xi32, #tpu.memory_space<vmem>>) target_semaphore(%run_scoped3A : memref<!tpu.dma_semaphore, #tpu.memory_space<semaphore_mem>>)
        tpu.wait_dma2 semaphore(%run_scoped3A : memref<!tpu.dma_semaphore, #tpu.memory_space<semaphore_mem>>) src(%arg5 : memref<100000xi32, #tpu.memory_space<hbm>>) dst(%arg8 : memref<100000xi32, #tpu.memory_space<vmem>>)
        tpu.yield
      }) : () -> ()
    } else {
    }
    %add3A = arith.constant 0 : i32
    %add3A_14 = arith.addi %mul3A_0, %add3A : i32
    %dma_start3A = arith.constant 0 : i32
    %dma_start3A_15 = tpu.memref_slice %arg2[%add3A_14, %dma_start3A] : memref<1024x4096xi32, #tpu.memory_space<hbm>> -> memref<1x4096xi32, #tpu.memory_space<hbm>>
    %dma_start3A_16 = tpu.memref_squeeze %dma_start3A_15 : memref<1x4096xi32, #tpu.memory_space<hbm>> -> memref<4096xi32, #tpu.memory_space<hbm>>
    %dma_start3A_17 = arith.constant 0 : i32
    %dma_start3A_18 = tpu.memref_slice %arg2[%add3A_14, %dma_start3A_17] : memref<1024x4096xi32, #tpu.memory_space<hbm>> -> memref<1x4096xi32, #tpu.memory_space<hbm>>
    %dma_start3A_19 = tpu.memref_squeeze %dma_start3A_18 : memref<1x4096xi32, #tpu.memory_space<hbm>> -> memref<4096xi32, #tpu.memory_space<hbm>>
    tpu.enqueue_dma source(%dma_start3A_19 : memref<4096xi32, #tpu.memory_space<hbm>>) target(%arg9 : memref<4096xi32, #tpu.memory_space<vmem>>) target_semaphore(%arg17 : memref<!tpu.dma_semaphore, #tpu.memory_space<semaphore_mem>>)
    %add3A_20 = arith.constant 0 : i32
    %add3A_21 = arith.addi %mul3A_0, %add3A_20 : i32
    %dma_start3A_22 = arith.constant 0 : i32
    %dma_start3A_23 = tpu.memref_slice %arg3[%add3A_21, %dma_start3A_22] : memref<1024x4096xf32, #tpu.memory_space<hbm>> -> memref<1x4096xf32, #tpu.memory_space<hbm>>
    %dma_start3A_24 = tpu.memref_squeeze %dma_start3A_23 : memref<1x4096xf32, #tpu.memory_space<hbm>> -> memref<4096xf32, #tpu.memory_space<hbm>>
    %dma_start3A_25 = arith.constant 0 : i32
    %dma_start3A_26 = tpu.memref_slice %arg3[%add3A_21, %dma_start3A_25] : memref<1024x4096xf32, #tpu.memory_space<hbm>> -> memref<1x4096xf32, #tpu.memory_space<hbm>>
    %dma_start3A_27 = tpu.memref_squeeze %dma_start3A_26 : memref<1x4096xf32, #tpu.memory_space<hbm>> -> memref<4096xf32, #tpu.memory_space<hbm>>
    tpu.enqueue_dma source(%dma_start3A_27 : memref<4096xf32, #tpu.memory_space<hbm>>) target(%arg11 : memref<4096xf32, #tpu.memory_space<vmem>>) target_semaphore(%arg19 : memref<!tpu.dma_semaphore, #tpu.memory_space<semaphore_mem>>)
    %scan3A = arith.constant 0 : i32
    %scan3A_28 = arith.constant 32 : i32
    %scan3A_29 = arith.addi %scan3A, %scan3A_28 : i32
    %scan3A_30 = arith.constant 1 : i32
    scf.for %scan3A_32 = %scan3A to %scan3A_29 step %scan3A_30  : i32 {
      %mul3A_33 = arith.constant 2 : i32
      %mul3A_34 = arith.muli %scan3A_32, %mul3A_33 : i32
      %add3A_35 = arith.constant 0 : i32
      %add3A_36 = arith.addi %add3A_35, %mul3A_34 : i32
      %add3A_37 = arith.constant 0 : i32
      %add3A_38 = arith.addi %add3A_36, %add3A_37 : i32
      %add3A_39 = arith.constant 1 : i32
      %add3A_40 = arith.addi %add3A_38, %add3A_39 : i32
      %le3A = arith.constant 63 : i32
      %le3A_41 = arith.cmpi sle, %add3A_40, %le3A : i32
      %convert_element_type3A_42 = arith.extui %le3A_41 : i1 to i32
      %cond3A_43 = arith.constant 0 : i32
      %cond3A_44 = arith.cmpi ne, %convert_element_type3A_42, %cond3A_43 : i32
      scf.if %cond3A_44 {
        %add3A_101 = arith.constant 1 : i32
        %add3A_102 = arith.addi %add3A_38, %add3A_101 : i32
        %add3A_103 = arith.addi %mul3A_0, %add3A_102 : i32
        %dma_start3A_104 = arith.constant 0 : i32
        %dma_start3A_105 = tpu.memref_slice %arg2[%add3A_103, %dma_start3A_104] : memref<1024x4096xi32, #tpu.memory_space<hbm>> -> memref<1x4096xi32, #tpu.memory_space<hbm>>
        %dma_start3A_106 = tpu.memref_squeeze %dma_start3A_105 : memref<1x4096xi32, #tpu.memory_space<hbm>> -> memref<4096xi32, #tpu.memory_space<hbm>>
        %dma_start3A_107 = arith.constant 0 : i32
        %dma_start3A_108 = tpu.memref_slice %arg2[%add3A_103, %dma_start3A_107] : memref<1024x4096xi32, #tpu.memory_space<hbm>> -> memref<1x4096xi32, #tpu.memory_space<hbm>>
        %dma_start3A_109 = tpu.memref_squeeze %dma_start3A_108 : memref<1x4096xi32, #tpu.memory_space<hbm>> -> memref<4096xi32, #tpu.memory_space<hbm>>
        tpu.enqueue_dma source(%dma_start3A_109 : memref<4096xi32, #tpu.memory_space<hbm>>) target(%arg10 : memref<4096xi32, #tpu.memory_space<vmem>>) target_semaphore(%arg18 : memref<!tpu.dma_semaphore, #tpu.memory_space<semaphore_mem>>)
        %add3A_110 = arith.constant 1 : i32
        %add3A_111 = arith.addi %add3A_38, %add3A_110 : i32
        %add3A_112 = arith.addi %mul3A_0, %add3A_111 : i32
        %dma_start3A_113 = arith.constant 0 : i32
        %dma_start3A_114 = tpu.memref_slice %arg3[%add3A_112, %dma_start3A_113] : memref<1024x4096xf32, #tpu.memory_space<hbm>> -> memref<1x4096xf32, #tpu.memory_space<hbm>>
        %dma_start3A_115 = tpu.memref_squeeze %dma_start3A_114 : memref<1x4096xf32, #tpu.memory_space<hbm>> -> memref<4096xf32, #tpu.memory_space<hbm>>
        %dma_start3A_116 = arith.constant 0 : i32
        %dma_start3A_117 = tpu.memref_slice %arg3[%add3A_112, %dma_start3A_116] : memref<1024x4096xf32, #tpu.memory_space<hbm>> -> memref<1x4096xf32, #tpu.memory_space<hbm>>
        %dma_start3A_118 = tpu.memref_squeeze %dma_start3A_117 : memref<1x4096xf32, #tpu.memory_space<hbm>> -> memref<4096xf32, #tpu.memory_space<hbm>>
        tpu.enqueue_dma source(%dma_start3A_118 : memref<4096xf32, #tpu.memory_space<hbm>>) target(%arg12 : memref<4096xf32, #tpu.memory_space<vmem>>) target_semaphore(%arg20 : memref<!tpu.dma_semaphore, #tpu.memory_space<semaphore_mem>>)
      } else {
      }
      %add3A_45 = arith.addi %mul3A_0, %add3A_38 : i32
      %dma_wait3A = arith.constant 0 : i32
      %dma_wait3A_46 = tpu.memref_slice %arg2[%add3A_45, %dma_wait3A] : memref<1024x4096xi32, #tpu.memory_space<hbm>> -> memref<1x4096xi32, #tpu.memory_space<hbm>>
      %dma_wait3A_47 = tpu.memref_squeeze %dma_wait3A_46 : memref<1x4096xi32, #tpu.memory_space<hbm>> -> memref<4096xi32, #tpu.memory_space<hbm>>
      %dma_wait3A_48 = arith.constant 0 : i32
      %dma_wait3A_49 = tpu.memref_slice %arg2[%add3A_45, %dma_wait3A_48] : memref<1024x4096xi32, #tpu.memory_space<hbm>> -> memref<1x4096xi32, #tpu.memory_space<hbm>>
      %dma_wait3A_50 = tpu.memref_squeeze %dma_wait3A_49 : memref<1x4096xi32, #tpu.memory_space<hbm>> -> memref<4096xi32, #tpu.memory_space<hbm>>
      tpu.wait_dma2 semaphore(%arg17 : memref<!tpu.dma_semaphore, #tpu.memory_space<semaphore_mem>>) src(%dma_wait3A_50 : memref<4096xi32, #tpu.memory_space<hbm>>) dst(%arg9 : memref<4096xi32, #tpu.memory_space<vmem>>)
      %add3A_51 = arith.addi %mul3A_0, %add3A_38 : i32
      %dma_wait3A_52 = arith.constant 0 : i32
      %dma_wait3A_53 = tpu.memref_slice %arg3[%add3A_51, %dma_wait3A_52] : memref<1024x4096xf32, #tpu.memory_space<hbm>> -> memref<1x4096xf32, #tpu.memory_space<hbm>>
      %dma_wait3A_54 = tpu.memref_squeeze %dma_wait3A_53 : memref<1x4096xf32, #tpu.memory_space<hbm>> -> memref<4096xf32, #tpu.memory_space<hbm>>
      %dma_wait3A_55 = arith.constant 0 : i32
      %dma_wait3A_56 = tpu.memref_slice %arg3[%add3A_51, %dma_wait3A_55] : memref<1024x4096xf32, #tpu.memory_space<hbm>> -> memref<1x4096xf32, #tpu.memory_space<hbm>>
      %dma_wait3A_57 = tpu.memref_squeeze %dma_wait3A_56 : memref<1x4096xf32, #tpu.memory_space<hbm>> -> memref<4096xf32, #tpu.memory_space<hbm>>
      tpu.wait_dma2 semaphore(%arg19 : memref<!tpu.dma_semaphore, #tpu.memory_space<semaphore_mem>>) src(%dma_wait3A_57 : memref<4096xf32, #tpu.memory_space<hbm>>) dst(%arg11 : memref<4096xf32, #tpu.memory_space<vmem>>)
      %eq3A_58 = arith.constant 0 : i32
      %eq3A_59 = arith.cmpi eq, %arg0, %eq3A_58 : i32
      %convert_element_type3A_60 = arith.extui %eq3A_59 : i1 to i32
      %cond3A_61 = arith.constant 0 : i32
      %cond3A_62 = arith.cmpi ne, %convert_element_type3A_60, %cond3A_61 : i32
      scf.if %cond3A_62 {
        %scan3A_101 = arith.constant 0 : i32
        %scan3A_102 = arith.constant 32 : i32
        %scan3A_103 = arith.addi %scan3A_101, %scan3A_102 : i32
        %scan3A_104 = arith.constant 1 : i32
        scf.for %scan3A_107 = %scan3A_101 to %scan3A_103 step %scan3A_104  : i32 {
          %mul3A_108 = arith.constant 1 : i32
          %mul3A_109 = arith.muli %scan3A_107, %mul3A_108 : i32
          %add3A_110 = arith.constant 0 : i32
          %add3A_111 = arith.addi %add3A_110, %mul3A_109 : i32
          %mul3A_112 = arith.constant 16 : i32
          %mul3A_113 = arith.muli %add3A_111, %mul3A_112 : i32
          %broadcast_in_dim3A = arith.constant 1.000000e-10 : f32
          %broadcast_in_dim3A_114 = vector.broadcast %broadcast_in_dim3A : f32 to vector<16xf32>
          %broadcast_in_dim3A_115 = arith.constant 0.000000e+00 : f32
          %broadcast_in_dim3A_116 = vector.broadcast %broadcast_in_dim3A_115 : f32 to vector<16xf32>
          %broadcast_in_dim3A_117 = arith.constant 0.000000e+00 : f32
          %broadcast_in_dim3A_118 = vector.broadcast %broadcast_in_dim3A_117 : f32 to vector<16xf32>
          %add3A_119 = arith.constant 0 : i32
          %add3A_120 = arith.addi %add3A_119, %mul3A_113 : i32
          %get3A = arith.index_cast %add3A_120 : i32 to index
          %get3A_121 = tpu.vector_load %arg9[%get3A] {strides = array<i32>} : memref<4096xi32, #tpu.memory_space<vmem>>, vector<16xi32>,
          %get3A_122 = arith.index_cast %add3A_120 : i32 to index
          %get3A_123 = tpu.vector_load %arg11[%get3A_122] {strides = array<i32>} : memref<4096xf32, #tpu.memory_space<vmem>>, vector<16xf32>,
          %mul3A_124 = arith.constant 1.000000e+04 : f32
          %mul3A_125 = vector.broadcast %mul3A_124 : f32 to vector<16xf32>
          %mul3A_126 = arith.mulf %get3A_123, %mul3A_125 : vector<16xf32>
          %sub3A = arith.constant 1.000000e+00 : f32
          %sub3A_127 = vector.broadcast %sub3A : f32 to vector<16xf32>
          %sub3A_128 = arith.subf %sub3A_127, %mul3A_126 : vector<16xf32>
          %add3A_129 = arith.addf %broadcast_in_dim3A_114, %sub3A_128 : vector<16xf32>
          %gather3A = tpu.vector_load_idx %arg8[%get3A_121] : memref<100000xi32, #tpu.memory_space<vmem>>[vector<16xi32>], vector<16xi32>,
          %and3A = arith.constant -65536 : i32
          %and3A_130 = vector.broadcast %and3A : i32 to vector<16xi32>
          %and3A_131 = arith.andi %gather3A, %and3A_130 : vector<16xi32>
          %bitcast3A = vector.bitcast %and3A_131 : vector<16xi32> to vector<16xf32>
          %shift_left3A = arith.constant 16 : i32
          %shift_left3A_132 = vector.broadcast %shift_left3A : i32 to vector<16xi32>
          %shift_left3A_133 = arith.shli %gather3A, %shift_left3A_132 : vector<16xi32>
          %bitcast3A_134 = vector.bitcast %shift_left3A_133 : vector<16xi32> to vector<16xf32>
          %mul3A_135 = arith.mulf %sub3A_128, %bitcast3A : vector<16xf32>
          %add3A_136 = arith.addf %broadcast_in_dim3A_116, %mul3A_135 : vector<16xf32>
          %mul3A_137 = arith.mulf %sub3A_128, %bitcast3A_134 : vector<16xf32>
          %add3A_138 = arith.addf %broadcast_in_dim3A_118, %mul3A_137 : vector<16xf32>
          %add3A_139 = arith.constant 512 : i32
          %add3A_140 = arith.addi %add3A_139, %mul3A_113 : i32
          %get3A_141 = arith.index_cast %add3A_140 : i32 to index
          %get3A_142 = tpu.vector_load %arg9[%get3A_141] {strides = array<i32>} : memref<4096xi32, #tpu.memory_space<vmem>>, vector<16xi32>,
          %get3A_143 = arith.index_cast %add3A_140 : i32 to index
          %get3A_144 = tpu.vector_load %arg11[%get3A_143] {strides = array<i32>} : memref<4096xf32, #tpu.memory_space<vmem>>, vector<16xf32>,
          %mul3A_145 = arith.constant 1.000000e+04 : f32
          %mul3A_146 = vector.broadcast %mul3A_145 : f32 to vector<16xf32>
          %mul3A_147 = arith.mulf %get3A_144, %mul3A_146 : vector<16xf32>
          %sub3A_148 = arith.constant 1.000000e+00 : f32
          %sub3A_149 = vector.broadcast %sub3A_148 : f32 to vector<16xf32>
          %sub3A_150 = arith.subf %sub3A_149, %mul3A_147 : vector<16xf32>
          %add3A_151 = arith.addf %add3A_129, %sub3A_150 : vector<16xf32>
          %gather3A_152 = tpu.vector_load_idx %arg8[%get3A_142] : memref<100000xi32, #tpu.memory_space<vmem>>[vector<16xi32>], vector<16xi32>,
          %and3A_153 = arith.constant -65536 : i32
          %and3A_154 = vector.broadcast %and3A_153 : i32 to vector<16xi32>
          %and3A_155 = arith.andi %gather3A_152, %and3A_154 : vector<16xi32>
          %bitcast3A_156 = vector.bitcast %and3A_155 : vector<16xi32> to vector<16xf32>
          %shift_left3A_157 = arith.constant 16 : i32
          %shift_left3A_158 = vector.broadcast %shift_left3A_157 : i32 to vector<16xi32>
          %shift_left3A_159 = arith.shli %gather3A_152, %shift_left3A_158 : vector<16xi32>
          %bitcast3A_160 = vector.bitcast %shift_left3A_159 : vector<16xi32> to vector<16xf32>
          %mul3A_161 = arith.mulf %sub3A_150, %bitcast3A_156 : vector<16xf32>
          %add3A_162 = arith.addf %add3A_136, %mul3A_161 : vector<16xf32>
          %mul3A_163 = arith.mulf %sub3A_150, %bitcast3A_160 : vector<16xf32>
          %add3A_164 = arith.addf %add3A_138, %mul3A_163 : vector<16xf32>
          %add3A_165 = arith.constant 1024 : i32
          %add3A_166 = arith.addi %add3A_165, %mul3A_113 : i32
          %get3A_167 = arith.index_cast %add3A_166 : i32 to index
          %get3A_168 = tpu.vector_load %arg9[%get3A_167] {strides = array<i32>} : memref<4096xi32, #tpu.memory_space<vmem>>, vector<16xi32>,
          %get3A_169 = arith.index_cast %add3A_166 : i32 to index
          %get3A_170 = tpu.vector_load %arg11[%get3A_169] {strides = array<i32>} : memref<4096xf32, #tpu.memory_space<vmem>>, vector<16xf32>,
          %mul3A_171 = arith.constant 1.000000e+04 : f32
          %mul3A_172 = vector.broadcast %mul3A_171 : f32 to vector<16xf32>
          %mul3A_173 = arith.mulf %get3A_170, %mul3A_172 : vector<16xf32>
          %sub3A_174 = arith.constant 1.000000e+00 : f32
          %sub3A_175 = vector.broadcast %sub3A_174 : f32 to vector<16xf32>
          %sub3A_176 = arith.subf %sub3A_175, %mul3A_173 : vector<16xf32>
          %add3A_177 = arith.addf %add3A_151, %sub3A_176 : vector<16xf32>
          %gather3A_178 = tpu.vector_load_idx %arg8[%get3A_168] : memref<100000xi32, #tpu.memory_space<vmem>>[vector<16xi32>], vector<16xi32>,
          %and3A_179 = arith.constant -65536 : i32
          %and3A_180 = vector.broadcast %and3A_179 : i32 to vector<16xi32>
          %and3A_181 = arith.andi %gather3A_178, %and3A_180 : vector<16xi32>
          %bitcast3A_182 = vector.bitcast %and3A_181 : vector<16xi32> to vector<16xf32>
          %shift_left3A_183 = arith.constant 16 : i32
          %shift_left3A_184 = vector.broadcast %shift_left3A_183 : i32 to vector<16xi32>
          %shift_left3A_185 = arith.shli %gather3A_178, %shift_left3A_184 : vector<16xi32>
          %bitcast3A_186 = vector.bitcast %shift_left3A_185 : vector<16xi32> to vector<16xf32>
          %mul3A_187 = arith.mulf %sub3A_176, %bitcast3A_182 : vector<16xf32>
          %add3A_188 = arith.addf %add3A_162, %mul3A_187 : vector<16xf32>
          %mul3A_189 = arith.mulf %sub3A_176, %bitcast3A_186 : vector<16xf32>
          %add3A_190 = arith.addf %add3A_164, %mul3A_189 : vector<16xf32>
          %add3A_191 = arith.constant 1536 : i32
          %add3A_192 = arith.addi %add3A_191, %mul3A_113 : i32
          %get3A_193 = arith.index_cast %add3A_192 : i32 to index
          %get3A_194 = tpu.vector_load %arg9[%get3A_193] {strides = array<i32>} : memref<4096xi32, #tpu.memory_space<vmem>>, vector<16xi32>,
          %get3A_195 = arith.index_cast %add3A_192 : i32 to index
          %get3A_196 = tpu.vector_load %arg11[%get3A_195] {strides = array<i32>} : memref<4096xf32, #tpu.memory_space<vmem>>, vector<16xf32>,
          %mul3A_197 = arith.constant 1.000000e+04 : f32
          %mul3A_198 = vector.broadcast %mul3A_197 : f32 to vector<16xf32>
          %mul3A_199 = arith.mulf %get3A_196, %mul3A_198 : vector<16xf32>
          %sub3A_200 = arith.constant 1.000000e+00 : f32
          %sub3A_201 = vector.broadcast %sub3A_200 : f32 to vector<16xf32>
          %sub3A_202 = arith.subf %sub3A_201, %mul3A_199 : vector<16xf32>
          %add3A_203 = arith.addf %add3A_177, %sub3A_202 : vector<16xf32>
          %gather3A_204 = tpu.vector_load_idx %arg8[%get3A_194] : memref<100000xi32, #tpu.memory_space<vmem>>[vector<16xi32>], vector<16xi32>,
          %and3A_205 = arith.constant -65536 : i32
          %and3A_206 = vector.broadcast %and3A_205 : i32 to vector<16xi32>
          %and3A_207 = arith.andi %gather3A_204, %and3A_206 : vector<16xi32>
          %bitcast3A_208 = vector.bitcast %and3A_207 : vector<16xi32> to vector<16xf32>
          %shift_left3A_209 = arith.constant 16 : i32
          %shift_left3A_210 = vector.broadcast %shift_left3A_209 : i32 to vector<16xi32>
          %shift_left3A_211 = arith.shli %gather3A_204, %shift_left3A_210 : vector<16xi32>
          %bitcast3A_212 = vector.bitcast %shift_left3A_211 : vector<16xi32> to vector<16xf32>
          %mul3A_213 = arith.mulf %sub3A_202, %bitcast3A_208 : vector<16xf32>
          %add3A_214 = arith.addf %add3A_188, %mul3A_213 : vector<16xf32>
          %mul3A_215 = arith.mulf %sub3A_202, %bitcast3A_212 : vector<16xf32>
          %add3A_216 = arith.addf %add3A_190, %mul3A_215 : vector<16xf32>
          %add3A_217 = arith.constant 2048 : i32
          %add3A_218 = arith.addi %add3A_217, %mul3A_113 : i32
          %get3A_219 = arith.index_cast %add3A_218 : i32 to index
          %get3A_220 = tpu.vector_load %arg9[%get3A_219] {strides = array<i32>} : memref<4096xi32, #tpu.memory_space<vmem>>, vector<16xi32>,
          %get3A_221 = arith.index_cast %add3A_218 : i32 to index
          %get3A_222 = tpu.vector_load %arg11[%get3A_221] {strides = array<i32>} : memref<4096xf32, #tpu.memory_space<vmem>>, vector<16xf32>,
          %mul3A_223 = arith.constant 1.000000e+04 : f32
          %mul3A_224 = vector.broadcast %mul3A_223 : f32 to vector<16xf32>
          %mul3A_225 = arith.mulf %get3A_222, %mul3A_224 : vector<16xf32>
          %sub3A_226 = arith.constant 1.000000e+00 : f32
          %sub3A_227 = vector.broadcast %sub3A_226 : f32 to vector<16xf32>
          %sub3A_228 = arith.subf %sub3A_227, %mul3A_225 : vector<16xf32>
          %add3A_229 = arith.addf %add3A_203, %sub3A_228 : vector<16xf32>
          %gather3A_230 = tpu.vector_load_idx %arg8[%get3A_220] : memref<100000xi32, #tpu.memory_space<vmem>>[vector<16xi32>], vector<16xi32>,
          %and3A_231 = arith.constant -65536 : i32
          %and3A_232 = vector.broadcast %and3A_231 : i32 to vector<16xi32>
          %and3A_233 = arith.andi %gather3A_230, %and3A_232 : vector<16xi32>
          %bitcast3A_234 = vector.bitcast %and3A_233 : vector<16xi32> to vector<16xf32>
          %shift_left3A_235 = arith.constant 16 : i32
          %shift_left3A_236 = vector.broadcast %shift_left3A_235 : i32 to vector<16xi32>
          %shift_left3A_237 = arith.shli %gather3A_230, %shift_left3A_236 : vector<16xi32>
          %bitcast3A_238 = vector.bitcast %shift_left3A_237 : vector<16xi32> to vector<16xf32>
          %mul3A_239 = arith.mulf %sub3A_228, %bitcast3A_234 : vector<16xf32>
          %add3A_240 = arith.addf %add3A_214, %mul3A_239 : vector<16xf32>
          %mul3A_241 = arith.mulf %sub3A_228, %bitcast3A_238 : vector<16xf32>
          %add3A_242 = arith.addf %add3A_216, %mul3A_241 : vector<16xf32>
          %add3A_243 = arith.constant 2560 : i32
          %add3A_244 = arith.addi %add3A_243, %mul3A_113 : i32
          %get3A_245 = arith.index_cast %add3A_244 : i32 to index
          %get3A_246 = tpu.vector_load %arg9[%get3A_245] {strides = array<i32>} : memref<4096xi32, #tpu.memory_space<vmem>>, vector<16xi32>,
          %get3A_247 = arith.index_cast %add3A_244 : i32 to index
          %get3A_248 = tpu.vector_load %arg11[%get3A_247] {strides = array<i32>} : memref<4096xf32, #tpu.memory_space<vmem>>, vector<16xf32>,
          %mul3A_249 = arith.constant 1.000000e+04 : f32
          %mul3A_250 = vector.broadcast %mul3A_249 : f32 to vector<16xf32>
          %mul3A_251 = arith.mulf %get3A_248, %mul3A_250 : vector<16xf32>
          %sub3A_252 = arith.constant 1.000000e+00 : f32
          %sub3A_253 = vector.broadcast %sub3A_252 : f32 to vector<16xf32>
          %sub3A_254 = arith.subf %sub3A_253, %mul3A_251 : vector<16xf32>
          %add3A_255 = arith.addf %add3A_229, %sub3A_254 : vector<16xf32>
          %gather3A_256 = tpu.vector_load_idx %arg8[%get3A_246] : memref<100000xi32, #tpu.memory_space<vmem>>[vector<16xi32>], vector<16xi32>,
          %and3A_257 = arith.constant -65536 : i32
          %and3A_258 = vector.broadcast %and3A_257 : i32 to vector<16xi32>
          %and3A_259 = arith.andi %gather3A_256, %and3A_258 : vector<16xi32>
          %bitcast3A_260 = vector.bitcast %and3A_259 : vector<16xi32> to vector<16xf32>
          %shift_left3A_261 = arith.constant 16 : i32
          %shift_left3A_262 = vector.broadcast %shift_left3A_261 : i32 to vector<16xi32>
          %shift_left3A_263 = arith.shli %gather3A_256, %shift_left3A_262 : vector<16xi32>
          %bitcast3A_264 = vector.bitcast %shift_left3A_263 : vector<16xi32> to vector<16xf32>
          %mul3A_265 = arith.mulf %sub3A_254, %bitcast3A_260 : vector<16xf32>
          %add3A_266 = arith.addf %add3A_240, %mul3A_265 : vector<16xf32>
          %mul3A_267 = arith.mulf %sub3A_254, %bitcast3A_264 : vector<16xf32>
          %add3A_268 = arith.addf %add3A_242, %mul3A_267 : vector<16xf32>
          %add3A_269 = arith.constant 3072 : i32
          %add3A_270 = arith.addi %add3A_269, %mul3A_113 : i32
          %get3A_271 = arith.index_cast %add3A_270 : i32 to index
          %get3A_272 = tpu.vector_load %arg9[%get3A_271] {strides = array<i32>} : memref<4096xi32, #tpu.memory_space<vmem>>, vector<16xi32>,
          %get3A_273 = arith.index_cast %add3A_270 : i32 to index
          %get3A_274 = tpu.vector_load %arg11[%get3A_273] {strides = array<i32>} : memref<4096xf32, #tpu.memory_space<vmem>>, vector<16xf32>,
          %mul3A_275 = arith.constant 1.000000e+04 : f32
          %mul3A_276 = vector.broadcast %mul3A_275 : f32 to vector<16xf32>
          %mul3A_277 = arith.mulf %get3A_274, %mul3A_276 : vector<16xf32>
          %sub3A_278 = arith.constant 1.000000e+00 : f32
          %sub3A_279 = vector.broadcast %sub3A_278 : f32 to vector<16xf32>
          %sub3A_280 = arith.subf %sub3A_279, %mul3A_277 : vector<16xf32>
          %add3A_281 = arith.addf %add3A_255, %sub3A_280 : vector<16xf32>
          %gather3A_282 = tpu.vector_load_idx %arg8[%get3A_272] : memref<100000xi32, #tpu.memory_space<vmem>>[vector<16xi32>], vector<16xi32>,
          %and3A_283 = arith.constant -65536 : i32
          %and3A_284 = vector.broadcast %and3A_283 : i32 to vector<16xi32>
          %and3A_285 = arith.andi %gather3A_282, %and3A_284 : vector<16xi32>
          %bitcast3A_286 = vector.bitcast %and3A_285 : vector<16xi32> to vector<16xf32>
          %shift_left3A_287 = arith.constant 16 : i32
          %shift_left3A_288 = vector.broadcast %shift_left3A_287 : i32 to vector<16xi32>
          %shift_left3A_289 = arith.shli %gather3A_282, %shift_left3A_288 : vector<16xi32>
          %bitcast3A_290 = vector.bitcast %shift_left3A_289 : vector<16xi32> to vector<16xf32>
          %mul3A_291 = arith.mulf %sub3A_280, %bitcast3A_286 : vector<16xf32>
          %add3A_292 = arith.addf %add3A_266, %mul3A_291 : vector<16xf32>
          %mul3A_293 = arith.mulf %sub3A_280, %bitcast3A_290 : vector<16xf32>
          %add3A_294 = arith.addf %add3A_268, %mul3A_293 : vector<16xf32>
          %add3A_295 = arith.constant 3584 : i32
          %add3A_296 = arith.addi %add3A_295, %mul3A_113 : i32
          %get3A_297 = arith.index_cast %add3A_296 : i32 to index
          %get3A_298 = tpu.vector_load %arg9[%get3A_297] {strides = array<i32>} : memref<4096xi32, #tpu.memory_space<vmem>>, vector<16xi32>,
          %get3A_299 = arith.index_cast %add3A_296 : i32 to index
          %get3A_300 = tpu.vector_load %arg11[%get3A_299] {strides = array<i32>} : memref<4096xf32, #tpu.memory_space<vmem>>, vector<16xf32>,
          %mul3A_301 = arith.constant 1.000000e+04 : f32
          %mul3A_302 = vector.broadcast %mul3A_301 : f32 to vector<16xf32>
          %mul3A_303 = arith.mulf %get3A_300, %mul3A_302 : vector<16xf32>
          %sub3A_304 = arith.constant 1.000000e+00 : f32
          %sub3A_305 = vector.broadcast %sub3A_304 : f32 to vector<16xf32>
          %sub3A_306 = arith.subf %sub3A_305, %mul3A_303 : vector<16xf32>
          %add3A_307 = arith.addf %add3A_281, %sub3A_306 : vector<16xf32>
          %gather3A_308 = tpu.vector_load_idx %arg8[%get3A_298] : memref<100000xi32, #tpu.memory_space<vmem>>[vector<16xi32>], vector<16xi32>,
          %and3A_309 = arith.constant -65536 : i32
          %and3A_310 = vector.broadcast %and3A_309 : i32 to vector<16xi32>
          %and3A_311 = arith.andi %gather3A_308, %and3A_310 : vector<16xi32>
          %bitcast3A_312 = vector.bitcast %and3A_311 : vector<16xi32> to vector<16xf32>
          %shift_left3A_313 = arith.constant 16 : i32
          %shift_left3A_314 = vector.broadcast %shift_left3A_313 : i32 to vector<16xi32>
          %shift_left3A_315 = arith.shli %gather3A_308, %shift_left3A_314 : vector<16xi32>
          %bitcast3A_316 = vector.bitcast %shift_left3A_315 : vector<16xi32> to vector<16xf32>
          %mul3A_317 = arith.mulf %sub3A_306, %bitcast3A_312 : vector<16xf32>
          %add3A_318 = arith.addf %add3A_292, %mul3A_317 : vector<16xf32>
          %mul3A_319 = arith.mulf %sub3A_306, %bitcast3A_316 : vector<16xf32>
          %add3A_320 = arith.addf %add3A_294, %mul3A_319 : vector<16xf32>
          %div3A = arith.constant 1.000000e+00 : f32
          %div3A_321 = vector.broadcast %div3A : f32 to vector<16xf32>
          %div3A_322 = arith.divf %div3A_321, %add3A_307 : vector<16xf32>
          %mul3A_323 = arith.mulf %add3A_318, %div3A_322 : vector<16xf32>
          %swap3A = arith.index_cast %mul3A_113 : i32 to index
          %swap3A_324 = tpu.vector_load %arg13[%swap3A] {strides = array<i32>} : memref<1024xf32, #tpu.memory_space<vmem>>, vector<16xf32>,
          tpu.vector_store %arg13[%swap3A], %mul3A_323 {strides = array<i32>} : memref<1024xf32, #tpu.memory_space<vmem>>, vector<16xf32>,
          %mul3A_325 = arith.mulf %add3A_320, %div3A_322 : vector<16xf32>
          %add3A_326 = arith.constant 512 : i32
          %add3A_327 = arith.addi %add3A_326, %mul3A_113 : i32
          %swap3A_328 = arith.index_cast %add3A_327 : i32 to index
          %swap3A_329 = tpu.vector_load %arg13[%swap3A_328] {strides = array<i32>} : memref<1024xf32, #tpu.memory_space<vmem>>, vector<16xf32>,
          tpu.vector_store %arg13[%swap3A_328], %mul3A_325 {strides = array<i32>} : memref<1024xf32, #tpu.memory_space<vmem>>, vector<16xf32>,
        }
        %scan3A_105 = arith.constant 32 : i32
        %add3A_106 = arith.addi %mul3A_0, %add3A_38 : i32
        "tpu.region"() ({
          %run_scoped3A = tpu.sem_alloc : memref<!tpu.dma_semaphore, #tpu.memory_space<semaphore_mem>>
          %dma_start3A_107 = arith.constant 0 : i32
          %dma_start3A_108 = tpu.memref_slice %arg6[%add3A_106, %dma_start3A_107] : memref<1024x1024xf32, #tpu.memory_space<hbm>> -> memref<1x1024xf32, #tpu.memory_space<hbm>>
          %dma_start3A_109 = tpu.memref_squeeze %dma_start3A_108 : memref<1x1024xf32, #tpu.memory_space<hbm>> -> memref<1024xf32, #tpu.memory_space<hbm>>
          %dma_start3A_110 = arith.constant 0 : i32
          %dma_start3A_111 = tpu.memref_slice %arg6[%add3A_106, %dma_start3A_110] : memref<1024x1024xf32, #tpu.memory_space<hbm>> -> memref<1x1024xf32, #tpu.memory_space<hbm>>
          %dma_start3A_112 = tpu.memref_squeeze %dma_start3A_111 : memref<1x1024xf32, #tpu.memory_space<hbm>> -> memref<1024xf32, #tpu.memory_space<hbm>>
          tpu.enqueue_dma source(%arg13 : memref<1024xf32, #tpu.memory_space<vmem>>) target(%dma_start3A_112 : memref<1024xf32, #tpu.memory_space<hbm>>) target_semaphore(%run_scoped3A : memref<!tpu.dma_semaphore, #tpu.memory_space<semaphore_mem>>)
          %dma_wait3A_113 = arith.constant 0 : i32
          %dma_wait3A_114 = tpu.memref_slice %arg6[%add3A_106, %dma_wait3A_113] : memref<1024x1024xf32, #tpu.memory_space<hbm>> -> memref<1x1024xf32, #tpu.memory_space<hbm>>
          %dma_wait3A_115 = tpu.memref_squeeze %dma_wait3A_114 : memref<1x1024xf32, #tpu.memory_space<hbm>> -> memref<1024xf32, #tpu.memory_space<hbm>>
          %dma_wait3A_116 = arith.constant 0 : i32
          %dma_wait3A_117 = tpu.memref_slice %arg6[%add3A_106, %dma_wait3A_116] : memref<1024x1024xf32, #tpu.memory_space<hbm>> -> memref<1x1024xf32, #tpu.memory_space<hbm>>
          %dma_wait3A_118 = tpu.memref_squeeze %dma_wait3A_117 : memref<1x1024xf32, #tpu.memory_space<hbm>> -> memref<1024xf32, #tpu.memory_space<hbm>>
          tpu.wait_dma2 semaphore(%run_scoped3A : memref<!tpu.dma_semaphore, #tpu.memory_space<semaphore_mem>>) src(%arg13 : memref<1024xf32, #tpu.memory_space<vmem>>) dst(%dma_wait3A_118 : memref<1024xf32, #tpu.memory_space<hbm>>)
          tpu.yield
        }) : () -> ()
      } else {
      }
      %eq3A_63 = arith.constant 1 : i32
      %eq3A_64 = arith.cmpi eq, %arg0, %eq3A_63 : i32
      %convert_element_type3A_65 = arith.extui %eq3A_64 : i1 to i32
      %cond3A_66 = arith.constant 0 : i32
      %cond3A_67 = arith.cmpi ne, %convert_element_type3A_65, %cond3A_66 : i32
      scf.if %cond3A_67 {
        %scan3A_101 = arith.constant 0 : i32
        %scan3A_102 = arith.constant 32 : i32
        %scan3A_103 = arith.addi %scan3A_101, %scan3A_102 : i32
        %scan3A_104 = arith.constant 1 : i32
        scf.for %scan3A_107 = %scan3A_101 to %scan3A_103 step %scan3A_104  : i32 {
          %mul3A_108 = arith.constant 1 : i32
          %mul3A_109 = arith.muli %scan3A_107, %mul3A_108 : i32
          %add3A_110 = arith.constant 0 : i32
          %add3A_111 = arith.addi %add3A_110, %mul3A_109 : i32
          %mul3A_112 = arith.constant 16 : i32
          %mul3A_113 = arith.muli %add3A_111, %mul3A_112 : i32
          %broadcast_in_dim3A = arith.constant 1.000000e-10 : f32
          %broadcast_in_dim3A_114 = vector.broadcast %broadcast_in_dim3A : f32 to vector<16xf32>
          %broadcast_in_dim3A_115 = arith.constant 0.000000e+00 : f32
          %broadcast_in_dim3A_116 = vector.broadcast %broadcast_in_dim3A_115 : f32 to vector<16xf32>
          %add3A_117 = arith.constant 0 : i32
          %add3A_118 = arith.addi %add3A_117, %mul3A_113 : i32
          %get3A = arith.index_cast %add3A_118 : i32 to index
          %get3A_119 = tpu.vector_load %arg9[%get3A] {strides = array<i32>} : memref<4096xi32, #tpu.memory_space<vmem>>, vector<16xi32>,
          %get3A_120 = arith.index_cast %add3A_118 : i32 to index
          %get3A_121 = tpu.vector_load %arg11[%get3A_120] {strides = array<i32>} : memref<4096xf32, #tpu.memory_space<vmem>>, vector<16xf32>,
          %mul3A_122 = arith.constant 1.000000e+04 : f32
          %mul3A_123 = vector.broadcast %mul3A_122 : f32 to vector<16xf32>
          %mul3A_124 = arith.mulf %get3A_121, %mul3A_123 : vector<16xf32>
          %sub3A = arith.constant 1.000000e+00 : f32
          %sub3A_125 = vector.broadcast %sub3A : f32 to vector<16xf32>
          %sub3A_126 = arith.subf %sub3A_125, %mul3A_124 : vector<16xf32>
          %add3A_127 = arith.addf %broadcast_in_dim3A_114, %sub3A_126 : vector<16xf32>
          %shift_right_arithmetic3A = arith.constant 1 : i32
          %shift_right_arithmetic3A_128 = vector.broadcast %shift_right_arithmetic3A : i32 to vector<16xi32>
          %shift_right_arithmetic3A_129 = arith.shrsi %get3A_119, %shift_right_arithmetic3A_128 : vector<16xi32>
          %gather3A = tpu.vector_load_idx %arg8[%shift_right_arithmetic3A_129] : memref<100000xi32, #tpu.memory_space<vmem>>[vector<16xi32>], vector<16xi32>,
          %and3A = arith.constant 1 : i32
          %and3A_130 = vector.broadcast %and3A : i32 to vector<16xi32>
          %and3A_131 = arith.andi %get3A_119, %and3A_130 : vector<16xi32>
          %sub3A_132 = arith.constant 1 : i32
          %sub3A_133 = vector.broadcast %sub3A_132 : i32 to vector<16xi32>
          %sub3A_134 = arith.subi %sub3A_133, %and3A_131 : vector<16xi32>
          %shift_left3A = arith.constant 4 : i32
          %shift_left3A_135 = vector.broadcast %shift_left3A : i32 to vector<16xi32>
          %shift_left3A_136 = arith.shli %sub3A_134, %shift_left3A_135 : vector<16xi32>
          %shift_left3A_137 = arith.shli %gather3A, %shift_left3A_136 : vector<16xi32>
          %and3A_138 = arith.constant -65536 : i32
          %and3A_139 = vector.broadcast %and3A_138 : i32 to vector<16xi32>
          %and3A_140 = arith.andi %shift_left3A_137, %and3A_139 : vector<16xi32>
          %bitcast3A = vector.bitcast %and3A_140 : vector<16xi32> to vector<16xf32>
          %mul3A_141 = arith.mulf %sub3A_126, %bitcast3A : vector<16xf32>
          %add3A_142 = arith.addf %broadcast_in_dim3A_116, %mul3A_141 : vector<16xf32>
          %add3A_143 = arith.constant 512 : i32
          %add3A_144 = arith.addi %add3A_143, %mul3A_113 : i32
          %get3A_145 = arith.index_cast %add3A_144 : i32 to index
          %get3A_146 = tpu.vector_load %arg9[%get3A_145] {strides = array<i32>} : memref<4096xi32, #tpu.memory_space<vmem>>, vector<16xi32>,
          %get3A_147 = arith.index_cast %add3A_144 : i32 to index
          %get3A_148 = tpu.vector_load %arg11[%get3A_147] {strides = array<i32>} : memref<4096xf32, #tpu.memory_space<vmem>>, vector<16xf32>,
          %mul3A_149 = arith.constant 1.000000e+04 : f32
          %mul3A_150 = vector.broadcast %mul3A_149 : f32 to vector<16xf32>
          %mul3A_151 = arith.mulf %get3A_148, %mul3A_150 : vector<16xf32>
          %sub3A_152 = arith.constant 1.000000e+00 : f32
          %sub3A_153 = vector.broadcast %sub3A_152 : f32 to vector<16xf32>
          %sub3A_154 = arith.subf %sub3A_153, %mul3A_151 : vector<16xf32>
          %add3A_155 = arith.addf %add3A_127, %sub3A_154 : vector<16xf32>
          %shift_right_arithmetic3A_156 = arith.constant 1 : i32
          %shift_right_arithmetic3A_157 = vector.broadcast %shift_right_arithmetic3A_156 : i32 to vector<16xi32>
          %shift_right_arithmetic3A_158 = arith.shrsi %get3A_146, %shift_right_arithmetic3A_157 : vector<16xi32>
          %gather3A_159 = tpu.vector_load_idx %arg8[%shift_right_arithmetic3A_158] : memref<100000xi32, #tpu.memory_space<vmem>>[vector<16xi32>], vector<16xi32>,
          %and3A_160 = arith.constant 1 : i32
          %and3A_161 = vector.broadcast %and3A_160 : i32 to vector<16xi32>
          %and3A_162 = arith.andi %get3A_146, %and3A_161 : vector<16xi32>
          %sub3A_163 = arith.constant 1 : i32
          %sub3A_164 = vector.broadcast %sub3A_163 : i32 to vector<16xi32>
          %sub3A_165 = arith.subi %sub3A_164, %and3A_162 : vector<16xi32>
          %shift_left3A_166 = arith.constant 4 : i32
          %shift_left3A_167 = vector.broadcast %shift_left3A_166 : i32 to vector<16xi32>
          %shift_left3A_168 = arith.shli %sub3A_165, %shift_left3A_167 : vector<16xi32>
          %shift_left3A_169 = arith.shli %gather3A_159, %shift_left3A_168 : vector<16xi32>
          %and3A_170 = arith.constant -65536 : i32
          %and3A_171 = vector.broadcast %and3A_170 : i32 to vector<16xi32>
          %and3A_172 = arith.andi %shift_left3A_169, %and3A_171 : vector<16xi32>
          %bitcast3A_173 = vector.bitcast %and3A_172 : vector<16xi32> to vector<16xf32>
          %mul3A_174 = arith.mulf %sub3A_154, %bitcast3A_173 : vector<16xf32>
          %add3A_175 = arith.addf %add3A_142, %mul3A_174 : vector<16xf32>
          %add3A_176 = arith.constant 1024 : i32
          %add3A_177 = arith.addi %add3A_176, %mul3A_113 : i32
          %get3A_178 = arith.index_cast %add3A_177 : i32 to index
          %get3A_179 = tpu.vector_load %arg9[%get3A_178] {strides = array<i32>} : memref<4096xi32, #tpu.memory_space<vmem>>, vector<16xi32>,
          %get3A_180 = arith.index_cast %add3A_177 : i32 to index
          %get3A_181 = tpu.vector_load %arg11[%get3A_180] {strides = array<i32>} : memref<4096xf32, #tpu.memory_space<vmem>>, vector<16xf32>,
          %mul3A_182 = arith.constant 1.000000e+04 : f32
          %mul3A_183 = vector.broadcast %mul3A_182 : f32 to vector<16xf32>
          %mul3A_184 = arith.mulf %get3A_181, %mul3A_183 : vector<16xf32>
          %sub3A_185 = arith.constant 1.000000e+00 : f32
          %sub3A_186 = vector.broadcast %sub3A_185 : f32 to vector<16xf32>
          %sub3A_187 = arith.subf %sub3A_186, %mul3A_184 : vector<16xf32>
          %add3A_188 = arith.addf %add3A_155, %sub3A_187 : vector<16xf32>
          %shift_right_arithmetic3A_189 = arith.constant 1 : i32
          %shift_right_arithmetic3A_190 = vector.broadcast %shift_right_arithmetic3A_189 : i32 to vector<16xi32>
          %shift_right_arithmetic3A_191 = arith.shrsi %get3A_179, %shift_right_arithmetic3A_190 : vector<16xi32>
          %gather3A_192 = tpu.vector_load_idx %arg8[%shift_right_arithmetic3A_191] : memref<100000xi32, #tpu.memory_space<vmem>>[vector<16xi32>], vector<16xi32>,
          %and3A_193 = arith.constant 1 : i32
          %and3A_194 = vector.broadcast %and3A_193 : i32 to vector<16xi32>
          %and3A_195 = arith.andi %get3A_179, %and3A_194 : vector<16xi32>
          %sub3A_196 = arith.constant 1 : i32
          %sub3A_197 = vector.broadcast %sub3A_196 : i32 to vector<16xi32>
          %sub3A_198 = arith.subi %sub3A_197, %and3A_195 : vector<16xi32>
          %shift_left3A_199 = arith.constant 4 : i32
          %shift_left3A_200 = vector.broadcast %shift_left3A_199 : i32 to vector<16xi32>
          %shift_left3A_201 = arith.shli %sub3A_198, %shift_left3A_200 : vector<16xi32>
          %shift_left3A_202 = arith.shli %gather3A_192, %shift_left3A_201 : vector<16xi32>
          %and3A_203 = arith.constant -65536 : i32
          %and3A_204 = vector.broadcast %and3A_203 : i32 to vector<16xi32>
          %and3A_205 = arith.andi %shift_left3A_202, %and3A_204 : vector<16xi32>
          %bitcast3A_206 = vector.bitcast %and3A_205 : vector<16xi32> to vector<16xf32>
          %mul3A_207 = arith.mulf %sub3A_187, %bitcast3A_206 : vector<16xf32>
          %add3A_208 = arith.addf %add3A_175, %mul3A_207 : vector<16xf32>
          %add3A_209 = arith.constant 1536 : i32
          %add3A_210 = arith.addi %add3A_209, %mul3A_113 : i32
          %get3A_211 = arith.index_cast %add3A_210 : i32 to index
          %get3A_212 = tpu.vector_load %arg9[%get3A_211] {strides = array<i32>} : memref<4096xi32, #tpu.memory_space<vmem>>, vector<16xi32>,
          %get3A_213 = arith.index_cast %add3A_210 : i32 to index
          %get3A_214 = tpu.vector_load %arg11[%get3A_213] {strides = array<i32>} : memref<4096xf32, #tpu.memory_space<vmem>>, vector<16xf32>,
          %mul3A_215 = arith.constant 1.000000e+04 : f32
          %mul3A_216 = vector.broadcast %mul3A_215 : f32 to vector<16xf32>
          %mul3A_217 = arith.mulf %get3A_214, %mul3A_216 : vector<16xf32>
          %sub3A_218 = arith.constant 1.000000e+00 : f32
          %sub3A_219 = vector.broadcast %sub3A_218 : f32 to vector<16xf32>
          %sub3A_220 = arith.subf %sub3A_219, %mul3A_217 : vector<16xf32>
          %add3A_221 = arith.addf %add3A_188, %sub3A_220 : vector<16xf32>
          %shift_right_arithmetic3A_222 = arith.constant 1 : i32
          %shift_right_arithmetic3A_223 = vector.broadcast %shift_right_arithmetic3A_222 : i32 to vector<16xi32>
          %shift_right_arithmetic3A_224 = arith.shrsi %get3A_212, %shift_right_arithmetic3A_223 : vector<16xi32>
          %gather3A_225 = tpu.vector_load_idx %arg8[%shift_right_arithmetic3A_224] : memref<100000xi32, #tpu.memory_space<vmem>>[vector<16xi32>], vector<16xi32>,
          %and3A_226 = arith.constant 1 : i32
          %and3A_227 = vector.broadcast %and3A_226 : i32 to vector<16xi32>
          %and3A_228 = arith.andi %get3A_212, %and3A_227 : vector<16xi32>
          %sub3A_229 = arith.constant 1 : i32
          %sub3A_230 = vector.broadcast %sub3A_229 : i32 to vector<16xi32>
          %sub3A_231 = arith.subi %sub3A_230, %and3A_228 : vector<16xi32>
          %shift_left3A_232 = arith.constant 4 : i32
          %shift_left3A_233 = vector.broadcast %shift_left3A_232 : i32 to vector<16xi32>
          %shift_left3A_234 = arith.shli %sub3A_231, %shift_left3A_233 : vector<16xi32>
          %shift_left3A_235 = arith.shli %gather3A_225, %shift_left3A_234 : vector<16xi32>
          %and3A_236 = arith.constant -65536 : i32
          %and3A_237 = vector.broadcast %and3A_236 : i32 to vector<16xi32>
          %and3A_238 = arith.andi %shift_left3A_235, %and3A_237 : vector<16xi32>
          %bitcast3A_239 = vector.bitcast %and3A_238 : vector<16xi32> to vector<16xf32>
          %mul3A_240 = arith.mulf %sub3A_220, %bitcast3A_239 : vector<16xf32>
          %add3A_241 = arith.addf %add3A_208, %mul3A_240 : vector<16xf32>
          %add3A_242 = arith.constant 2048 : i32
          %add3A_243 = arith.addi %add3A_242, %mul3A_113 : i32
          %get3A_244 = arith.index_cast %add3A_243 : i32 to index
          %get3A_245 = tpu.vector_load %arg9[%get3A_244] {strides = array<i32>} : memref<4096xi32, #tpu.memory_space<vmem>>, vector<16xi32>,
          %get3A_246 = arith.index_cast %add3A_243 : i32 to index
          %get3A_247 = tpu.vector_load %arg11[%get3A_246] {strides = array<i32>} : memref<4096xf32, #tpu.memory_space<vmem>>, vector<16xf32>,
          %mul3A_248 = arith.constant 1.000000e+04 : f32
          %mul3A_249 = vector.broadcast %mul3A_248 : f32 to vector<16xf32>
          %mul3A_250 = arith.mulf %get3A_247, %mul3A_249 : vector<16xf32>
          %sub3A_251 = arith.constant 1.000000e+00 : f32
          %sub3A_252 = vector.broadcast %sub3A_251 : f32 to vector<16xf32>
          %sub3A_253 = arith.subf %sub3A_252, %mul3A_250 : vector<16xf32>
          %add3A_254 = arith.addf %add3A_221, %sub3A_253 : vector<16xf32>
          %shift_right_arithmetic3A_255 = arith.constant 1 : i32
          %shift_right_arithmetic3A_256 = vector.broadcast %shift_right_arithmetic3A_255 : i32 to vector<16xi32>
          %shift_right_arithmetic3A_257 = arith.shrsi %get3A_245, %shift_right_arithmetic3A_256 : vector<16xi32>
          %gather3A_258 = tpu.vector_load_idx %arg8[%shift_right_arithmetic3A_257] : memref<100000xi32, #tpu.memory_space<vmem>>[vector<16xi32>], vector<16xi32>,
          %and3A_259 = arith.constant 1 : i32
          %and3A_260 = vector.broadcast %and3A_259 : i32 to vector<16xi32>
          %and3A_261 = arith.andi %get3A_245, %and3A_260 : vector<16xi32>
          %sub3A_262 = arith.constant 1 : i32
          %sub3A_263 = vector.broadcast %sub3A_262 : i32 to vector<16xi32>
          %sub3A_264 = arith.subi %sub3A_263, %and3A_261 : vector<16xi32>
          %shift_left3A_265 = arith.constant 4 : i32
          %shift_left3A_266 = vector.broadcast %shift_left3A_265 : i32 to vector<16xi32>
          %shift_left3A_267 = arith.shli %sub3A_264, %shift_left3A_266 : vector<16xi32>
          %shift_left3A_268 = arith.shli %gather3A_258, %shift_left3A_267 : vector<16xi32>
          %and3A_269 = arith.constant -65536 : i32
          %and3A_270 = vector.broadcast %and3A_269 : i32 to vector<16xi32>
          %and3A_271 = arith.andi %shift_left3A_268, %and3A_270 : vector<16xi32>
          %bitcast3A_272 = vector.bitcast %and3A_271 : vector<16xi32> to vector<16xf32>
          %mul3A_273 = arith.mulf %sub3A_253, %bitcast3A_272 : vector<16xf32>
          %add3A_274 = arith.addf %add3A_241, %mul3A_273 : vector<16xf32>
          %add3A_275 = arith.constant 2560 : i32
          %add3A_276 = arith.addi %add3A_275, %mul3A_113 : i32
          %get3A_277 = arith.index_cast %add3A_276 : i32 to index
          %get3A_278 = tpu.vector_load %arg9[%get3A_277] {strides = array<i32>} : memref<4096xi32, #tpu.memory_space<vmem>>, vector<16xi32>,
          %get3A_279 = arith.index_cast %add3A_276 : i32 to index
          %get3A_280 = tpu.vector_load %arg11[%get3A_279] {strides = array<i32>} : memref<4096xf32, #tpu.memory_space<vmem>>, vector<16xf32>,
          %mul3A_281 = arith.constant 1.000000e+04 : f32
          %mul3A_282 = vector.broadcast %mul3A_281 : f32 to vector<16xf32>
          %mul3A_283 = arith.mulf %get3A_280, %mul3A_282 : vector<16xf32>
          %sub3A_284 = arith.constant 1.000000e+00 : f32
          %sub3A_285 = vector.broadcast %sub3A_284 : f32 to vector<16xf32>
          %sub3A_286 = arith.subf %sub3A_285, %mul3A_283 : vector<16xf32>
          %add3A_287 = arith.addf %add3A_254, %sub3A_286 : vector<16xf32>
          %shift_right_arithmetic3A_288 = arith.constant 1 : i32
          %shift_right_arithmetic3A_289 = vector.broadcast %shift_right_arithmetic3A_288 : i32 to vector<16xi32>
          %shift_right_arithmetic3A_290 = arith.shrsi %get3A_278, %shift_right_arithmetic3A_289 : vector<16xi32>
          %gather3A_291 = tpu.vector_load_idx %arg8[%shift_right_arithmetic3A_290] : memref<100000xi32, #tpu.memory_space<vmem>>[vector<16xi32>], vector<16xi32>,
          %and3A_292 = arith.constant 1 : i32
          %and3A_293 = vector.broadcast %and3A_292 : i32 to vector<16xi32>
          %and3A_294 = arith.andi %get3A_278, %and3A_293 : vector<16xi32>
          %sub3A_295 = arith.constant 1 : i32
          %sub3A_296 = vector.broadcast %sub3A_295 : i32 to vector<16xi32>
          %sub3A_297 = arith.subi %sub3A_296, %and3A_294 : vector<16xi32>
          %shift_left3A_298 = arith.constant 4 : i32
          %shift_left3A_299 = vector.broadcast %shift_left3A_298 : i32 to vector<16xi32>
          %shift_left3A_300 = arith.shli %sub3A_297, %shift_left3A_299 : vector<16xi32>
          %shift_left3A_301 = arith.shli %gather3A_291, %shift_left3A_300 : vector<16xi32>
          %and3A_302 = arith.constant -65536 : i32
          %and3A_303 = vector.broadcast %and3A_302 : i32 to vector<16xi32>
          %and3A_304 = arith.andi %shift_left3A_301, %and3A_303 : vector<16xi32>
          %bitcast3A_305 = vector.bitcast %and3A_304 : vector<16xi32> to vector<16xf32>
          %mul3A_306 = arith.mulf %sub3A_286, %bitcast3A_305 : vector<16xf32>
          %add3A_307 = arith.addf %add3A_274, %mul3A_306 : vector<16xf32>
          %add3A_308 = arith.constant 3072 : i32
          %add3A_309 = arith.addi %add3A_308, %mul3A_113 : i32
          %get3A_310 = arith.index_cast %add3A_309 : i32 to index
          %get3A_311 = tpu.vector_load %arg9[%get3A_310] {strides = array<i32>} : memref<4096xi32, #tpu.memory_space<vmem>>, vector<16xi32>,
          %get3A_312 = arith.index_cast %add3A_309 : i32 to index
          %get3A_313 = tpu.vector_load %arg11[%get3A_312] {strides = array<i32>} : memref<4096xf32, #tpu.memory_space<vmem>>, vector<16xf32>,
          %mul3A_314 = arith.constant 1.000000e+04 : f32
          %mul3A_315 = vector.broadcast %mul3A_314 : f32 to vector<16xf32>
          %mul3A_316 = arith.mulf %get3A_313, %mul3A_315 : vector<16xf32>
          %sub3A_317 = arith.constant 1.000000e+00 : f32
          %sub3A_318 = vector.broadcast %sub3A_317 : f32 to vector<16xf32>
          %sub3A_319 = arith.subf %sub3A_318, %mul3A_316 : vector<16xf32>
          %add3A_320 = arith.addf %add3A_287, %sub3A_319 : vector<16xf32>
          %shift_right_arithmetic3A_321 = arith.constant 1 : i32
          %shift_right_arithmetic3A_322 = vector.broadcast %shift_right_arithmetic3A_321 : i32 to vector<16xi32>
          %shift_right_arithmetic3A_323 = arith.shrsi %get3A_311, %shift_right_arithmetic3A_322 : vector<16xi32>
          %gather3A_324 = tpu.vector_load_idx %arg8[%shift_right_arithmetic3A_323] : memref<100000xi32, #tpu.memory_space<vmem>>[vector<16xi32>], vector<16xi32>,
          %and3A_325 = arith.constant 1 : i32
          %and3A_326 = vector.broadcast %and3A_325 : i32 to vector<16xi32>
          %and3A_327 = arith.andi %get3A_311, %and3A_326 : vector<16xi32>
          %sub3A_328 = arith.constant 1 : i32
          %sub3A_329 = vector.broadcast %sub3A_328 : i32 to vector<16xi32>
          %sub3A_330 = arith.subi %sub3A_329, %and3A_327 : vector<16xi32>
          %shift_left3A_331 = arith.constant 4 : i32
          %shift_left3A_332 = vector.broadcast %shift_left3A_331 : i32 to vector<16xi32>
          %shift_left3A_333 = arith.shli %sub3A_330, %shift_left3A_332 : vector<16xi32>
          %shift_left3A_334 = arith.shli %gather3A_324, %shift_left3A_333 : vector<16xi32>
          %and3A_335 = arith.constant -65536 : i32
          %and3A_336 = vector.broadcast %and3A_335 : i32 to vector<16xi32>
          %and3A_337 = arith.andi %shift_left3A_334, %and3A_336 : vector<16xi32>
          %bitcast3A_338 = vector.bitcast %and3A_337 : vector<16xi32> to vector<16xf32>
          %mul3A_339 = arith.mulf %sub3A_319, %bitcast3A_338 : vector<16xf32>
          %add3A_340 = arith.addf %add3A_307, %mul3A_339 : vector<16xf32>
          %add3A_341 = arith.constant 3584 : i32
          %add3A_342 = arith.addi %add3A_341, %mul3A_113 : i32
          %get3A_343 = arith.index_cast %add3A_342 : i32 to index
          %get3A_344 = tpu.vector_load %arg9[%get3A_343] {strides = array<i32>} : memref<4096xi32, #tpu.memory_space<vmem>>, vector<16xi32>,
          %get3A_345 = arith.index_cast %add3A_342 : i32 to index
          %get3A_346 = tpu.vector_load %arg11[%get3A_345] {strides = array<i32>} : memref<4096xf32, #tpu.memory_space<vmem>>, vector<16xf32>,
          %mul3A_347 = arith.constant 1.000000e+04 : f32
          %mul3A_348 = vector.broadcast %mul3A_347 : f32 to vector<16xf32>
          %mul3A_349 = arith.mulf %get3A_346, %mul3A_348 : vector<16xf32>
          %sub3A_350 = arith.constant 1.000000e+00 : f32
          %sub3A_351 = vector.broadcast %sub3A_350 : f32 to vector<16xf32>
          %sub3A_352 = arith.subf %sub3A_351, %mul3A_349 : vector<16xf32>
          %add3A_353 = arith.addf %add3A_320, %sub3A_352 : vector<16xf32>
          %shift_right_arithmetic3A_354 = arith.constant 1 : i32
          %shift_right_arithmetic3A_355 = vector.broadcast %shift_right_arithmetic3A_354 : i32 to vector<16xi32>
          %shift_right_arithmetic3A_356 = arith.shrsi %get3A_344, %shift_right_arithmetic3A_355 : vector<16xi32>
          %gather3A_357 = tpu.vector_load_idx %arg8[%shift_right_arithmetic3A_356] : memref<100000xi32, #tpu.memory_space<vmem>>[vector<16xi32>], vector<16xi32>,
          %and3A_358 = arith.constant 1 : i32
          %and3A_359 = vector.broadcast %and3A_358 : i32 to vector<16xi32>
          %and3A_360 = arith.andi %get3A_344, %and3A_359 : vector<16xi32>
          %sub3A_361 = arith.constant 1 : i32
          %sub3A_362 = vector.broadcast %sub3A_361 : i32 to vector<16xi32>
          %sub3A_363 = arith.subi %sub3A_362, %and3A_360 : vector<16xi32>
          %shift_left3A_364 = arith.constant 4 : i32
          %shift_left3A_365 = vector.broadcast %shift_left3A_364 : i32 to vector<16xi32>
          %shift_left3A_366 = arith.shli %sub3A_363, %shift_left3A_365 : vector<16xi32>
          %shift_left3A_367 = arith.shli %gather3A_357, %shift_left3A_366 : vector<16xi32>
          %and3A_368 = arith.constant -65536 : i32
          %and3A_369 = vector.broadcast %and3A_368 : i32 to vector<16xi32>
          %and3A_370 = arith.andi %shift_left3A_367, %and3A_369 : vector<16xi32>
          %bitcast3A_371 = vector.bitcast %and3A_370 : vector<16xi32> to vector<16xf32>
          %mul3A_372 = arith.mulf %sub3A_352, %bitcast3A_371 : vector<16xf32>
          %add3A_373 = arith.addf %add3A_340, %mul3A_372 : vector<16xf32>
          %div3A = arith.constant 1.000000e+00 : f32
          %div3A_374 = vector.broadcast %div3A : f32 to vector<16xf32>
          %div3A_375 = arith.divf %div3A_374, %add3A_353 : vector<16xf32>
          %mul3A_376 = arith.mulf %add3A_373, %div3A_375 : vector<16xf32>
          %swap3A = arith.index_cast %mul3A_113 : i32 to index
          %swap3A_377 = tpu.vector_load %arg15[%swap3A] {strides = array<i32>} : memref<512xf32, #tpu.memory_space<vmem>>, vector<16xf32>,
          tpu.vector_store %arg15[%swap3A], %mul3A_376 {strides = array<i32>} : memref<512xf32, #tpu.memory_space<vmem>>, vector<16xf32>,
        }
        %scan3A_105 = arith.constant 32 : i32
        %add3A_106 = arith.addi %mul3A_0, %add3A_38 : i32
        "tpu.region"() ({
          %run_scoped3A = tpu.sem_alloc : memref<!tpu.dma_semaphore, #tpu.memory_space<semaphore_mem>>
          %dma_start3A_107 = arith.constant 0 : i32
          %dma_start3A_108 = tpu.memref_slice %arg7[%add3A_106, %dma_start3A_107] : memref<1024x512xf32, #tpu.memory_space<hbm>> -> memref<1x512xf32, #tpu.memory_space<hbm>>
          %dma_start3A_109 = tpu.memref_squeeze %dma_start3A_108 : memref<1x512xf32, #tpu.memory_space<hbm>> -> memref<512xf32, #tpu.memory_space<hbm>>
          %dma_start3A_110 = arith.constant 0 : i32
          %dma_start3A_111 = tpu.memref_slice %arg7[%add3A_106, %dma_start3A_110] : memref<1024x512xf32, #tpu.memory_space<hbm>> -> memref<1x512xf32, #tpu.memory_space<hbm>>
          %dma_start3A_112 = tpu.memref_squeeze %dma_start3A_111 : memref<1x512xf32, #tpu.memory_space<hbm>> -> memref<512xf32, #tpu.memory_space<hbm>>
          tpu.enqueue_dma source(%arg15 : memref<512xf32, #tpu.memory_space<vmem>>) target(%dma_start3A_112 : memref<512xf32, #tpu.memory_space<hbm>>) target_semaphore(%run_scoped3A : memref<!tpu.dma_semaphore, #tpu.memory_space<semaphore_mem>>)
          %dma_wait3A_113 = arith.constant 0 : i32
          %dma_wait3A_114 = tpu.memref_slice %arg7[%add3A_106, %dma_wait3A_113] : memref<1024x512xf32, #tpu.memory_space<hbm>> -> memref<1x512xf32, #tpu.memory_space<hbm>>
          %dma_wait3A_115 = tpu.memref_squeeze %dma_wait3A_114 : memref<1x512xf32, #tpu.memory_space<hbm>> -> memref<512xf32, #tpu.memory_space<hbm>>
          %dma_wait3A_116 = arith.constant 0 : i32
          %dma_wait3A_117 = tpu.memref_slice %arg7[%add3A_106, %dma_wait3A_116] : memref<1024x512xf32, #tpu.memory_space<hbm>> -> memref<1x512xf32, #tpu.memory_space<hbm>>
          %dma_wait3A_118 = tpu.memref_squeeze %dma_wait3A_117 : memref<1x512xf32, #tpu.memory_space<hbm>> -> memref<512xf32, #tpu.memory_space<hbm>>
          tpu.wait_dma2 semaphore(%run_scoped3A : memref<!tpu.dma_semaphore, #tpu.memory_space<semaphore_mem>>) src(%arg15 : memref<512xf32, #tpu.memory_space<vmem>>) dst(%dma_wait3A_118 : memref<512xf32, #tpu.memory_space<hbm>>)
          tpu.yield
        }) : () -> ()
      } else {
      }
      %add3A_68 = arith.constant 1 : i32
      %add3A_69 = arith.addi %add3A_36, %add3A_68 : i32
      %add3A_70 = arith.constant 1 : i32
      %add3A_71 = arith.addi %add3A_69, %add3A_70 : i32
      %le3A_72 = arith.constant 63 : i32
      %le3A_73 = arith.cmpi sle, %add3A_71, %le3A_72 : i32
      %convert_element_type3A_74 = arith.extui %le3A_73 : i1 to i32
      %cond3A_75 = arith.constant 0 : i32
      %cond3A_76 = arith.cmpi ne, %convert_element_type3A_74, %cond3A_75 : i32
      scf.if %cond3A_76 {
        %add3A_101 = arith.constant 1 : i32
        %add3A_102 = arith.addi %add3A_69, %add3A_101 : i32
        %add3A_103 = arith.addi %mul3A_0, %add3A_102 : i32
        %dma_start3A_104 = arith.constant 0 : i32
        %dma_start3A_105 = tpu.memref_slice %arg2[%add3A_103, %dma_start3A_104] : memref<1024x4096xi32, #tpu.memory_space<hbm>> -> memref<1x4096xi32, #tpu.memory_space<hbm>>
        %dma_start3A_106 = tpu.memref_squeeze %dma_start3A_105 : memref<1x4096xi32, #tpu.memory_space<hbm>> -> memref<4096xi32, #tpu.memory_space<hbm>>
        %dma_start3A_107 = arith.constant 0 : i32
        %dma_start3A_108 = tpu.memref_slice %arg2[%add3A_103, %dma_start3A_107] : memref<1024x4096xi32, #tpu.memory_space<hbm>> -> memref<1x4096xi32, #tpu.memory_space<hbm>>
        %dma_start3A_109 = tpu.memref_squeeze %dma_start3A_108 : memref<1x4096xi32, #tpu.memory_space<hbm>> -> memref<4096xi32, #tpu.memory_space<hbm>>
        tpu.enqueue_dma source(%dma_start3A_109 : memref<4096xi32, #tpu.memory_space<hbm>>) target(%arg9 : memref<4096xi32, #tpu.memory_space<vmem>>) target_semaphore(%arg17 : memref<!tpu.dma_semaphore, #tpu.memory_space<semaphore_mem>>)
        %add3A_110 = arith.constant 1 : i32
        %add3A_111 = arith.addi %add3A_69, %add3A_110 : i32
        %add3A_112 = arith.addi %mul3A_0, %add3A_111 : i32
        %dma_start3A_113 = arith.constant 0 : i32
        %dma_start3A_114 = tpu.memref_slice %arg3[%add3A_112, %dma_start3A_113] : memref<1024x4096xf32, #tpu.memory_space<hbm>> -> memref<1x4096xf32, #tpu.memory_space<hbm>>
        %dma_start3A_115 = tpu.memref_squeeze %dma_start3A_114 : memref<1x4096xf32, #tpu.memory_space<hbm>> -> memref<4096xf32, #tpu.memory_space<hbm>>
        %dma_start3A_116 = arith.constant 0 : i32
        %dma_start3A_117 = tpu.memref_slice %arg3[%add3A_112, %dma_start3A_116] : memref<1024x4096xf32, #tpu.memory_space<hbm>> -> memref<1x4096xf32, #tpu.memory_space<hbm>>
        %dma_start3A_118 = tpu.memref_squeeze %dma_start3A_117 : memref<1x4096xf32, #tpu.memory_space<hbm>> -> memref<4096xf32, #tpu.memory_space<hbm>>
        tpu.enqueue_dma source(%dma_start3A_118 : memref<4096xf32, #tpu.memory_space<hbm>>) target(%arg11 : memref<4096xf32, #tpu.memory_space<vmem>>) target_semaphore(%arg19 : memref<!tpu.dma_semaphore, #tpu.memory_space<semaphore_mem>>)
      } else {
      }
      %add3A_77 = arith.addi %mul3A_0, %add3A_69 : i32
      %dma_wait3A_78 = arith.constant 0 : i32
      %dma_wait3A_79 = tpu.memref_slice %arg2[%add3A_77, %dma_wait3A_78] : memref<1024x4096xi32, #tpu.memory_space<hbm>> -> memref<1x4096xi32, #tpu.memory_space<hbm>>
      %dma_wait3A_80 = tpu.memref_squeeze %dma_wait3A_79 : memref<1x4096xi32, #tpu.memory_space<hbm>> -> memref<4096xi32, #tpu.memory_space<hbm>>
      %dma_wait3A_81 = arith.constant 0 : i32
      %dma_wait3A_82 = tpu.memref_slice %arg2[%add3A_77, %dma_wait3A_81] : memref<1024x4096xi32, #tpu.memory_space<hbm>> -> memref<1x4096xi32, #tpu.memory_space<hbm>>
      %dma_wait3A_83 = tpu.memref_squeeze %dma_wait3A_82 : memref<1x4096xi32, #tpu.memory_space<hbm>> -> memref<4096xi32, #tpu.memory_space<hbm>>
      tpu.wait_dma2 semaphore(%arg18 : memref<!tpu.dma_semaphore, #tpu.memory_space<semaphore_mem>>) src(%dma_wait3A_83 : memref<4096xi32, #tpu.memory_space<hbm>>) dst(%arg10 : memref<4096xi32, #tpu.memory_space<vmem>>)
      %add3A_84 = arith.addi %mul3A_0, %add3A_69 : i32
      %dma_wait3A_85 = arith.constant 0 : i32
      %dma_wait3A_86 = tpu.memref_slice %arg3[%add3A_84, %dma_wait3A_85] : memref<1024x4096xf32, #tpu.memory_space<hbm>> -> memref<1x4096xf32, #tpu.memory_space<hbm>>
      %dma_wait3A_87 = tpu.memref_squeeze %dma_wait3A_86 : memref<1x4096xf32, #tpu.memory_space<hbm>> -> memref<4096xf32, #tpu.memory_space<hbm>>
      %dma_wait3A_88 = arith.constant 0 : i32
      %dma_wait3A_89 = tpu.memref_slice %arg3[%add3A_84, %dma_wait3A_88] : memref<1024x4096xf32, #tpu.memory_space<hbm>> -> memref<1x4096xf32, #tpu.memory_space<hbm>>
      %dma_wait3A_90 = tpu.memref_squeeze %dma_wait3A_89 : memref<1x4096xf32, #tpu.memory_space<hbm>> -> memref<4096xf32, #tpu.memory_space<hbm>>
      tpu.wait_dma2 semaphore(%arg20 : memref<!tpu.dma_semaphore, #tpu.memory_space<semaphore_mem>>) src(%dma_wait3A_90 : memref<4096xf32, #tpu.memory_space<hbm>>) dst(%arg12 : memref<4096xf32, #tpu.memory_space<vmem>>)
      %eq3A_91 = arith.constant 0 : i32
      %eq3A_92 = arith.cmpi eq, %arg0, %eq3A_91 : i32
      %convert_element_type3A_93 = arith.extui %eq3A_92 : i1 to i32
      %cond3A_94 = arith.constant 0 : i32
      %cond3A_95 = arith.cmpi ne, %convert_element_type3A_93, %cond3A_94 : i32
      scf.if %cond3A_95 {
        %scan3A_101 = arith.constant 0 : i32
        %scan3A_102 = arith.constant 32 : i32
        %scan3A_103 = arith.addi %scan3A_101, %scan3A_102 : i32
        %scan3A_104 = arith.constant 1 : i32
        scf.for %scan3A_107 = %scan3A_101 to %scan3A_103 step %scan3A_104  : i32 {
          %mul3A_108 = arith.constant 1 : i32
          %mul3A_109 = arith.muli %scan3A_107, %mul3A_108 : i32
          %add3A_110 = arith.constant 0 : i32
          %add3A_111 = arith.addi %add3A_110, %mul3A_109 : i32
          %mul3A_112 = arith.constant 16 : i32
          %mul3A_113 = arith.muli %add3A_111, %mul3A_112 : i32
          %broadcast_in_dim3A = arith.constant 1.000000e-10 : f32
          %broadcast_in_dim3A_114 = vector.broadcast %broadcast_in_dim3A : f32 to vector<16xf32>
          %broadcast_in_dim3A_115 = arith.constant 0.000000e+00 : f32
          %broadcast_in_dim3A_116 = vector.broadcast %broadcast_in_dim3A_115 : f32 to vector<16xf32>
          %broadcast_in_dim3A_117 = arith.constant 0.000000e+00 : f32
          %broadcast_in_dim3A_118 = vector.broadcast %broadcast_in_dim3A_117 : f32 to vector<16xf32>
          %add3A_119 = arith.constant 0 : i32
          %add3A_120 = arith.addi %add3A_119, %mul3A_113 : i32
          %get3A = arith.index_cast %add3A_120 : i32 to index
          %get3A_121 = tpu.vector_load %arg10[%get3A] {strides = array<i32>} : memref<4096xi32, #tpu.memory_space<vmem>>, vector<16xi32>,
          %get3A_122 = arith.index_cast %add3A_120 : i32 to index
          %get3A_123 = tpu.vector_load %arg12[%get3A_122] {strides = array<i32>} : memref<4096xf32, #tpu.memory_space<vmem>>, vector<16xf32>,
          %mul3A_124 = arith.constant 1.000000e+04 : f32
          %mul3A_125 = vector.broadcast %mul3A_124 : f32 to vector<16xf32>
          %mul3A_126 = arith.mulf %get3A_123, %mul3A_125 : vector<16xf32>
          %sub3A = arith.constant 1.000000e+00 : f32
          %sub3A_127 = vector.broadcast %sub3A : f32 to vector<16xf32>
          %sub3A_128 = arith.subf %sub3A_127, %mul3A_126 : vector<16xf32>
          %add3A_129 = arith.addf %broadcast_in_dim3A_114, %sub3A_128 : vector<16xf32>
          %gather3A = tpu.vector_load_idx %arg8[%get3A_121] : memref<100000xi32, #tpu.memory_space<vmem>>[vector<16xi32>], vector<16xi32>,
          %and3A = arith.constant -65536 : i32
          %and3A_130 = vector.broadcast %and3A : i32 to vector<16xi32>
          %and3A_131 = arith.andi %gather3A, %and3A_130 : vector<16xi32>
          %bitcast3A = vector.bitcast %and3A_131 : vector<16xi32> to vector<16xf32>
          %shift_left3A = arith.constant 16 : i32
          %shift_left3A_132 = vector.broadcast %shift_left3A : i32 to vector<16xi32>
          %shift_left3A_133 = arith.shli %gather3A, %shift_left3A_132 : vector<16xi32>
          %bitcast3A_134 = vector.bitcast %shift_left3A_133 : vector<16xi32> to vector<16xf32>
          %mul3A_135 = arith.mulf %sub3A_128, %bitcast3A : vector<16xf32>
          %add3A_136 = arith.addf %broadcast_in_dim3A_116, %mul3A_135 : vector<16xf32>
          %mul3A_137 = arith.mulf %sub3A_128, %bitcast3A_134 : vector<16xf32>
          %add3A_138 = arith.addf %broadcast_in_dim3A_118, %mul3A_137 : vector<16xf32>
          %add3A_139 = arith.constant 512 : i32
          %add3A_140 = arith.addi %add3A_139, %mul3A_113 : i32
          %get3A_141 = arith.index_cast %add3A_140 : i32 to index
          %get3A_142 = tpu.vector_load %arg10[%get3A_141] {strides = array<i32>} : memref<4096xi32, #tpu.memory_space<vmem>>, vector<16xi32>,
          %get3A_143 = arith.index_cast %add3A_140 : i32 to index
          %get3A_144 = tpu.vector_load %arg12[%get3A_143] {strides = array<i32>} : memref<4096xf32, #tpu.memory_space<vmem>>, vector<16xf32>,
          %mul3A_145 = arith.constant 1.000000e+04 : f32
          %mul3A_146 = vector.broadcast %mul3A_145 : f32 to vector<16xf32>
          %mul3A_147 = arith.mulf %get3A_144, %mul3A_146 : vector<16xf32>
          %sub3A_148 = arith.constant 1.000000e+00 : f32
          %sub3A_149 = vector.broadcast %sub3A_148 : f32 to vector<16xf32>
          %sub3A_150 = arith.subf %sub3A_149, %mul3A_147 : vector<16xf32>
          %add3A_151 = arith.addf %add3A_129, %sub3A_150 : vector<16xf32>
          %gather3A_152 = tpu.vector_load_idx %arg8[%get3A_142] : memref<100000xi32, #tpu.memory_space<vmem>>[vector<16xi32>], vector<16xi32>,
          %and3A_153 = arith.constant -65536 : i32
          %and3A_154 = vector.broadcast %and3A_153 : i32 to vector<16xi32>
          %and3A_155 = arith.andi %gather3A_152, %and3A_154 : vector<16xi32>
          %bitcast3A_156 = vector.bitcast %and3A_155 : vector<16xi32> to vector<16xf32>
          %shift_left3A_157 = arith.constant 16 : i32
          %shift_left3A_158 = vector.broadcast %shift_left3A_157 : i32 to vector<16xi32>
          %shift_left3A_159 = arith.shli %gather3A_152, %shift_left3A_158 : vector<16xi32>
          %bitcast3A_160 = vector.bitcast %shift_left3A_159 : vector<16xi32> to vector<16xf32>
          %mul3A_161 = arith.mulf %sub3A_150, %bitcast3A_156 : vector<16xf32>
          %add3A_162 = arith.addf %add3A_136, %mul3A_161 : vector<16xf32>
          %mul3A_163 = arith.mulf %sub3A_150, %bitcast3A_160 : vector<16xf32>
          %add3A_164 = arith.addf %add3A_138, %mul3A_163 : vector<16xf32>
          %add3A_165 = arith.constant 1024 : i32
          %add3A_166 = arith.addi %add3A_165, %mul3A_113 : i32
          %get3A_167 = arith.index_cast %add3A_166 : i32 to index
          %get3A_168 = tpu.vector_load %arg10[%get3A_167] {strides = array<i32>} : memref<4096xi32, #tpu.memory_space<vmem>>, vector<16xi32>,
          %get3A_169 = arith.index_cast %add3A_166 : i32 to index
          %get3A_170 = tpu.vector_load %arg12[%get3A_169] {strides = array<i32>} : memref<4096xf32, #tpu.memory_space<vmem>>, vector<16xf32>,
          %mul3A_171 = arith.constant 1.000000e+04 : f32
          %mul3A_172 = vector.broadcast %mul3A_171 : f32 to vector<16xf32>
          %mul3A_173 = arith.mulf %get3A_170, %mul3A_172 : vector<16xf32>
          %sub3A_174 = arith.constant 1.000000e+00 : f32
          %sub3A_175 = vector.broadcast %sub3A_174 : f32 to vector<16xf32>
          %sub3A_176 = arith.subf %sub3A_175, %mul3A_173 : vector<16xf32>
          %add3A_177 = arith.addf %add3A_151, %sub3A_176 : vector<16xf32>
          %gather3A_178 = tpu.vector_load_idx %arg8[%get3A_168] : memref<100000xi32, #tpu.memory_space<vmem>>[vector<16xi32>], vector<16xi32>,
          %and3A_179 = arith.constant -65536 : i32
          %and3A_180 = vector.broadcast %and3A_179 : i32 to vector<16xi32>
          %and3A_181 = arith.andi %gather3A_178, %and3A_180 : vector<16xi32>
          %bitcast3A_182 = vector.bitcast %and3A_181 : vector<16xi32> to vector<16xf32>
          %shift_left3A_183 = arith.constant 16 : i32
          %shift_left3A_184 = vector.broadcast %shift_left3A_183 : i32 to vector<16xi32>
          %shift_left3A_185 = arith.shli %gather3A_178, %shift_left3A_184 : vector<16xi32>
          %bitcast3A_186 = vector.bitcast %shift_left3A_185 : vector<16xi32> to vector<16xf32>
          %mul3A_187 = arith.mulf %sub3A_176, %bitcast3A_182 : vector<16xf32>
          %add3A_188 = arith.addf %add3A_162, %mul3A_187 : vector<16xf32>
          %mul3A_189 = arith.mulf %sub3A_176, %bitcast3A_186 : vector<16xf32>
          %add3A_190 = arith.addf %add3A_164, %mul3A_189 : vector<16xf32>
          %add3A_191 = arith.constant 1536 : i32
          %add3A_192 = arith.addi %add3A_191, %mul3A_113 : i32
          %get3A_193 = arith.index_cast %add3A_192 : i32 to index
          %get3A_194 = tpu.vector_load %arg10[%get3A_193] {strides = array<i32>} : memref<4096xi32, #tpu.memory_space<vmem>>, vector<16xi32>,
          %get3A_195 = arith.index_cast %add3A_192 : i32 to index
          %get3A_196 = tpu.vector_load %arg12[%get3A_195] {strides = array<i32>} : memref<4096xf32, #tpu.memory_space<vmem>>, vector<16xf32>,
          %mul3A_197 = arith.constant 1.000000e+04 : f32
          %mul3A_198 = vector.broadcast %mul3A_197 : f32 to vector<16xf32>
          %mul3A_199 = arith.mulf %get3A_196, %mul3A_198 : vector<16xf32>
          %sub3A_200 = arith.constant 1.000000e+00 : f32
          %sub3A_201 = vector.broadcast %sub3A_200 : f32 to vector<16xf32>
          %sub3A_202 = arith.subf %sub3A_201, %mul3A_199 : vector<16xf32>
          %add3A_203 = arith.addf %add3A_177, %sub3A_202 : vector<16xf32>
          %gather3A_204 = tpu.vector_load_idx %arg8[%get3A_194] : memref<100000xi32, #tpu.memory_space<vmem>>[vector<16xi32>], vector<16xi32>,
          %and3A_205 = arith.constant -65536 : i32
          %and3A_206 = vector.broadcast %and3A_205 : i32 to vector<16xi32>
          %and3A_207 = arith.andi %gather3A_204, %and3A_206 : vector<16xi32>
          %bitcast3A_208 = vector.bitcast %and3A_207 : vector<16xi32> to vector<16xf32>
          %shift_left3A_209 = arith.constant 16 : i32
          %shift_left3A_210 = vector.broadcast %shift_left3A_209 : i32 to vector<16xi32>
          %shift_left3A_211 = arith.shli %gather3A_204, %shift_left3A_210 : vector<16xi32>
          %bitcast3A_212 = vector.bitcast %shift_left3A_211 : vector<16xi32> to vector<16xf32>
          %mul3A_213 = arith.mulf %sub3A_202, %bitcast3A_208 : vector<16xf32>
          %add3A_214 = arith.addf %add3A_188, %mul3A_213 : vector<16xf32>
          %mul3A_215 = arith.mulf %sub3A_202, %bitcast3A_212 : vector<16xf32>
          %add3A_216 = arith.addf %add3A_190, %mul3A_215 : vector<16xf32>
          %add3A_217 = arith.constant 2048 : i32
          %add3A_218 = arith.addi %add3A_217, %mul3A_113 : i32
          %get3A_219 = arith.index_cast %add3A_218 : i32 to index
          %get3A_220 = tpu.vector_load %arg10[%get3A_219] {strides = array<i32>} : memref<4096xi32, #tpu.memory_space<vmem>>, vector<16xi32>,
          %get3A_221 = arith.index_cast %add3A_218 : i32 to index
          %get3A_222 = tpu.vector_load %arg12[%get3A_221] {strides = array<i32>} : memref<4096xf32, #tpu.memory_space<vmem>>, vector<16xf32>,
          %mul3A_223 = arith.constant 1.000000e+04 : f32
          %mul3A_224 = vector.broadcast %mul3A_223 : f32 to vector<16xf32>
          %mul3A_225 = arith.mulf %get3A_222, %mul3A_224 : vector<16xf32>
          %sub3A_226 = arith.constant 1.000000e+00 : f32
          %sub3A_227 = vector.broadcast %sub3A_226 : f32 to vector<16xf32>
          %sub3A_228 = arith.subf %sub3A_227, %mul3A_225 : vector<16xf32>
          %add3A_229 = arith.addf %add3A_203, %sub3A_228 : vector<16xf32>
          %gather3A_230 = tpu.vector_load_idx %arg8[%get3A_220] : memref<100000xi32, #tpu.memory_space<vmem>>[vector<16xi32>], vector<16xi32>,
          %and3A_231 = arith.constant -65536 : i32
          %and3A_232 = vector.broadcast %and3A_231 : i32 to vector<16xi32>
          %and3A_233 = arith.andi %gather3A_230, %and3A_232 : vector<16xi32>
          %bitcast3A_234 = vector.bitcast %and3A_233 : vector<16xi32> to vector<16xf32>
          %shift_left3A_235 = arith.constant 16 : i32
          %shift_left3A_236 = vector.broadcast %shift_left3A_235 : i32 to vector<16xi32>
          %shift_left3A_237 = arith.shli %gather3A_230, %shift_left3A_236 : vector<16xi32>
          %bitcast3A_238 = vector.bitcast %shift_left3A_237 : vector<16xi32> to vector<16xf32>
          %mul3A_239 = arith.mulf %sub3A_228, %bitcast3A_234 : vector<16xf32>
          %add3A_240 = arith.addf %add3A_214, %mul3A_239 : vector<16xf32>
          %mul3A_241 = arith.mulf %sub3A_228, %bitcast3A_238 : vector<16xf32>
          %add3A_242 = arith.addf %add3A_216, %mul3A_241 : vector<16xf32>
          %add3A_243 = arith.constant 2560 : i32
          %add3A_244 = arith.addi %add3A_243, %mul3A_113 : i32
          %get3A_245 = arith.index_cast %add3A_244 : i32 to index
          %get3A_246 = tpu.vector_load %arg10[%get3A_245] {strides = array<i32>} : memref<4096xi32, #tpu.memory_space<vmem>>, vector<16xi32>,
          %get3A_247 = arith.index_cast %add3A_244 : i32 to index
          %get3A_248 = tpu.vector_load %arg12[%get3A_247] {strides = array<i32>} : memref<4096xf32, #tpu.memory_space<vmem>>, vector<16xf32>,
          %mul3A_249 = arith.constant 1.000000e+04 : f32
          %mul3A_250 = vector.broadcast %mul3A_249 : f32 to vector<16xf32>
          %mul3A_251 = arith.mulf %get3A_248, %mul3A_250 : vector<16xf32>
          %sub3A_252 = arith.constant 1.000000e+00 : f32
          %sub3A_253 = vector.broadcast %sub3A_252 : f32 to vector<16xf32>
          %sub3A_254 = arith.subf %sub3A_253, %mul3A_251 : vector<16xf32>
          %add3A_255 = arith.addf %add3A_229, %sub3A_254 : vector<16xf32>
          %gather3A_256 = tpu.vector_load_idx %arg8[%get3A_246] : memref<100000xi32, #tpu.memory_space<vmem>>[vector<16xi32>], vector<16xi32>,
          %and3A_257 = arith.constant -65536 : i32
          %and3A_258 = vector.broadcast %and3A_257 : i32 to vector<16xi32>
          %and3A_259 = arith.andi %gather3A_256, %and3A_258 : vector<16xi32>
          %bitcast3A_260 = vector.bitcast %and3A_259 : vector<16xi32> to vector<16xf32>
          %shift_left3A_261 = arith.constant 16 : i32
          %shift_left3A_262 = vector.broadcast %shift_left3A_261 : i32 to vector<16xi32>
          %shift_left3A_263 = arith.shli %gather3A_256, %shift_left3A_262 : vector<16xi32>
          %bitcast3A_264 = vector.bitcast %shift_left3A_263 : vector<16xi32> to vector<16xf32>
          %mul3A_265 = arith.mulf %sub3A_254, %bitcast3A_260 : vector<16xf32>
          %add3A_266 = arith.addf %add3A_240, %mul3A_265 : vector<16xf32>
          %mul3A_267 = arith.mulf %sub3A_254, %bitcast3A_264 : vector<16xf32>
          %add3A_268 = arith.addf %add3A_242, %mul3A_267 : vector<16xf32>
          %add3A_269 = arith.constant 3072 : i32
          %add3A_270 = arith.addi %add3A_269, %mul3A_113 : i32
          %get3A_271 = arith.index_cast %add3A_270 : i32 to index
          %get3A_272 = tpu.vector_load %arg10[%get3A_271] {strides = array<i32>} : memref<4096xi32, #tpu.memory_space<vmem>>, vector<16xi32>,
          %get3A_273 = arith.index_cast %add3A_270 : i32 to index
          %get3A_274 = tpu.vector_load %arg12[%get3A_273] {strides = array<i32>} : memref<4096xf32, #tpu.memory_space<vmem>>, vector<16xf32>,
          %mul3A_275 = arith.constant 1.000000e+04 : f32
          %mul3A_276 = vector.broadcast %mul3A_275 : f32 to vector<16xf32>
          %mul3A_277 = arith.mulf %get3A_274, %mul3A_276 : vector<16xf32>
          %sub3A_278 = arith.constant 1.000000e+00 : f32
          %sub3A_279 = vector.broadcast %sub3A_278 : f32 to vector<16xf32>
          %sub3A_280 = arith.subf %sub3A_279, %mul3A_277 : vector<16xf32>
          %add3A_281 = arith.addf %add3A_255, %sub3A_280 : vector<16xf32>
          %gather3A_282 = tpu.vector_load_idx %arg8[%get3A_272] : memref<100000xi32, #tpu.memory_space<vmem>>[vector<16xi32>], vector<16xi32>,
          %and3A_283 = arith.constant -65536 : i32
          %and3A_284 = vector.broadcast %and3A_283 : i32 to vector<16xi32>
          %and3A_285 = arith.andi %gather3A_282, %and3A_284 : vector<16xi32>
          %bitcast3A_286 = vector.bitcast %and3A_285 : vector<16xi32> to vector<16xf32>
          %shift_left3A_287 = arith.constant 16 : i32
          %shift_left3A_288 = vector.broadcast %shift_left3A_287 : i32 to vector<16xi32>
          %shift_left3A_289 = arith.shli %gather3A_282, %shift_left3A_288 : vector<16xi32>
          %bitcast3A_290 = vector.bitcast %shift_left3A_289 : vector<16xi32> to vector<16xf32>
          %mul3A_291 = arith.mulf %sub3A_280, %bitcast3A_286 : vector<16xf32>
          %add3A_292 = arith.addf %add3A_266, %mul3A_291 : vector<16xf32>
          %mul3A_293 = arith.mulf %sub3A_280, %bitcast3A_290 : vector<16xf32>
          %add3A_294 = arith.addf %add3A_268, %mul3A_293 : vector<16xf32>
          %add3A_295 = arith.constant 3584 : i32
          %add3A_296 = arith.addi %add3A_295, %mul3A_113 : i32
          %get3A_297 = arith.index_cast %add3A_296 : i32 to index
          %get3A_298 = tpu.vector_load %arg10[%get3A_297] {strides = array<i32>} : memref<4096xi32, #tpu.memory_space<vmem>>, vector<16xi32>,
          %get3A_299 = arith.index_cast %add3A_296 : i32 to index
          %get3A_300 = tpu.vector_load %arg12[%get3A_299] {strides = array<i32>} : memref<4096xf32, #tpu.memory_space<vmem>>, vector<16xf32>,
          %mul3A_301 = arith.constant 1.000000e+04 : f32
          %mul3A_302 = vector.broadcast %mul3A_301 : f32 to vector<16xf32>
          %mul3A_303 = arith.mulf %get3A_300, %mul3A_302 : vector<16xf32>
          %sub3A_304 = arith.constant 1.000000e+00 : f32
          %sub3A_305 = vector.broadcast %sub3A_304 : f32 to vector<16xf32>
          %sub3A_306 = arith.subf %sub3A_305, %mul3A_303 : vector<16xf32>
          %add3A_307 = arith.addf %add3A_281, %sub3A_306 : vector<16xf32>
          %gather3A_308 = tpu.vector_load_idx %arg8[%get3A_298] : memref<100000xi32, #tpu.memory_space<vmem>>[vector<16xi32>], vector<16xi32>,
          %and3A_309 = arith.constant -65536 : i32
          %and3A_310 = vector.broadcast %and3A_309 : i32 to vector<16xi32>
          %and3A_311 = arith.andi %gather3A_308, %and3A_310 : vector<16xi32>
          %bitcast3A_312 = vector.bitcast %and3A_311 : vector<16xi32> to vector<16xf32>
          %shift_left3A_313 = arith.constant 16 : i32
          %shift_left3A_314 = vector.broadcast %shift_left3A_313 : i32 to vector<16xi32>
          %shift_left3A_315 = arith.shli %gather3A_308, %shift_left3A_314 : vector<16xi32>
          %bitcast3A_316 = vector.bitcast %shift_left3A_315 : vector<16xi32> to vector<16xf32>
          %mul3A_317 = arith.mulf %sub3A_306, %bitcast3A_312 : vector<16xf32>
          %add3A_318 = arith.addf %add3A_292, %mul3A_317 : vector<16xf32>
          %mul3A_319 = arith.mulf %sub3A_306, %bitcast3A_316 : vector<16xf32>
          %add3A_320 = arith.addf %add3A_294, %mul3A_319 : vector<16xf32>
          %div3A = arith.constant 1.000000e+00 : f32
          %div3A_321 = vector.broadcast %div3A : f32 to vector<16xf32>
          %div3A_322 = arith.divf %div3A_321, %add3A_307 : vector<16xf32>
          %mul3A_323 = arith.mulf %add3A_318, %div3A_322 : vector<16xf32>
          %swap3A = arith.index_cast %mul3A_113 : i32 to index
          %swap3A_324 = tpu.vector_load %arg14[%swap3A] {strides = array<i32>} : memref<1024xf32, #tpu.memory_space<vmem>>, vector<16xf32>,
          tpu.vector_store %arg14[%swap3A], %mul3A_323 {strides = array<i32>} : memref<1024xf32, #tpu.memory_space<vmem>>, vector<16xf32>,
          %mul3A_325 = arith.mulf %add3A_320, %div3A_322 : vector<16xf32>
          %add3A_326 = arith.constant 512 : i32
          %add3A_327 = arith.addi %add3A_326, %mul3A_113 : i32
          %swap3A_328 = arith.index_cast %add3A_327 : i32 to index
          %swap3A_329 = tpu.vector_load %arg14[%swap3A_328] {strides = array<i32>} : memref<1024xf32, #tpu.memory_space<vmem>>, vector<16xf32>,
          tpu.vector_store %arg14[%swap3A_328], %mul3A_325 {strides = array<i32>} : memref<1024xf32, #tpu.memory_space<vmem>>, vector<16xf32>,
        }
        %scan3A_105 = arith.constant 32 : i32
        %add3A_106 = arith.addi %mul3A_0, %add3A_69 : i32
        "tpu.region"() ({
          %run_scoped3A = tpu.sem_alloc : memref<!tpu.dma_semaphore, #tpu.memory_space<semaphore_mem>>
          %dma_start3A_107 = arith.constant 0 : i32
          %dma_start3A_108 = tpu.memref_slice %arg6[%add3A_106, %dma_start3A_107] : memref<1024x1024xf32, #tpu.memory_space<hbm>> -> memref<1x1024xf32, #tpu.memory_space<hbm>>
          %dma_start3A_109 = tpu.memref_squeeze %dma_start3A_108 : memref<1x1024xf32, #tpu.memory_space<hbm>> -> memref<1024xf32, #tpu.memory_space<hbm>>
          %dma_start3A_110 = arith.constant 0 : i32
          %dma_start3A_111 = tpu.memref_slice %arg6[%add3A_106, %dma_start3A_110] : memref<1024x1024xf32, #tpu.memory_space<hbm>> -> memref<1x1024xf32, #tpu.memory_space<hbm>>
          %dma_start3A_112 = tpu.memref_squeeze %dma_start3A_111 : memref<1x1024xf32, #tpu.memory_space<hbm>> -> memref<1024xf32, #tpu.memory_space<hbm>>
          tpu.enqueue_dma source(%arg14 : memref<1024xf32, #tpu.memory_space<vmem>>) target(%dma_start3A_112 : memref<1024xf32, #tpu.memory_space<hbm>>) target_semaphore(%run_scoped3A : memref<!tpu.dma_semaphore, #tpu.memory_space<semaphore_mem>>)
          %dma_wait3A_113 = arith.constant 0 : i32
          %dma_wait3A_114 = tpu.memref_slice %arg6[%add3A_106, %dma_wait3A_113] : memref<1024x1024xf32, #tpu.memory_space<hbm>> -> memref<1x1024xf32, #tpu.memory_space<hbm>>
          %dma_wait3A_115 = tpu.memref_squeeze %dma_wait3A_114 : memref<1x1024xf32, #tpu.memory_space<hbm>> -> memref<1024xf32, #tpu.memory_space<hbm>>
          %dma_wait3A_116 = arith.constant 0 : i32
          %dma_wait3A_117 = tpu.memref_slice %arg6[%add3A_106, %dma_wait3A_116] : memref<1024x1024xf32, #tpu.memory_space<hbm>> -> memref<1x1024xf32, #tpu.memory_space<hbm>>
          %dma_wait3A_118 = tpu.memref_squeeze %dma_wait3A_117 : memref<1x1024xf32, #tpu.memory_space<hbm>> -> memref<1024xf32, #tpu.memory_space<hbm>>
          tpu.wait_dma2 semaphore(%run_scoped3A : memref<!tpu.dma_semaphore, #tpu.memory_space<semaphore_mem>>) src(%arg14 : memref<1024xf32, #tpu.memory_space<vmem>>) dst(%dma_wait3A_118 : memref<1024xf32, #tpu.memory_space<hbm>>)
          tpu.yield
        }) : () -> ()
      } else {
      }
      %eq3A_96 = arith.constant 1 : i32
      %eq3A_97 = arith.cmpi eq, %arg0, %eq3A_96 : i32
      %convert_element_type3A_98 = arith.extui %eq3A_97 : i1 to i32
      %cond3A_99 = arith.constant 0 : i32
      %cond3A_100 = arith.cmpi ne, %convert_element_type3A_98, %cond3A_99 : i32
      scf.if %cond3A_100 {
        %scan3A_101 = arith.constant 0 : i32
        %scan3A_102 = arith.constant 32 : i32
        %scan3A_103 = arith.addi %scan3A_101, %scan3A_102 : i32
        %scan3A_104 = arith.constant 1 : i32
        scf.for %scan3A_107 = %scan3A_101 to %scan3A_103 step %scan3A_104  : i32 {
          %mul3A_108 = arith.constant 1 : i32
          %mul3A_109 = arith.muli %scan3A_107, %mul3A_108 : i32
          %add3A_110 = arith.constant 0 : i32
          %add3A_111 = arith.addi %add3A_110, %mul3A_109 : i32
          %mul3A_112 = arith.constant 16 : i32
          %mul3A_113 = arith.muli %add3A_111, %mul3A_112 : i32
          %broadcast_in_dim3A = arith.constant 1.000000e-10 : f32
          %broadcast_in_dim3A_114 = vector.broadcast %broadcast_in_dim3A : f32 to vector<16xf32>
          %broadcast_in_dim3A_115 = arith.constant 0.000000e+00 : f32
          %broadcast_in_dim3A_116 = vector.broadcast %broadcast_in_dim3A_115 : f32 to vector<16xf32>
          %add3A_117 = arith.constant 0 : i32
          %add3A_118 = arith.addi %add3A_117, %mul3A_113 : i32
          %get3A = arith.index_cast %add3A_118 : i32 to index
          %get3A_119 = tpu.vector_load %arg10[%get3A] {strides = array<i32>} : memref<4096xi32, #tpu.memory_space<vmem>>, vector<16xi32>,
          %get3A_120 = arith.index_cast %add3A_118 : i32 to index
          %get3A_121 = tpu.vector_load %arg12[%get3A_120] {strides = array<i32>} : memref<4096xf32, #tpu.memory_space<vmem>>, vector<16xf32>,
          %mul3A_122 = arith.constant 1.000000e+04 : f32
          %mul3A_123 = vector.broadcast %mul3A_122 : f32 to vector<16xf32>
          %mul3A_124 = arith.mulf %get3A_121, %mul3A_123 : vector<16xf32>
          %sub3A = arith.constant 1.000000e+00 : f32
          %sub3A_125 = vector.broadcast %sub3A : f32 to vector<16xf32>
          %sub3A_126 = arith.subf %sub3A_125, %mul3A_124 : vector<16xf32>
          %add3A_127 = arith.addf %broadcast_in_dim3A_114, %sub3A_126 : vector<16xf32>
          %shift_right_arithmetic3A = arith.constant 1 : i32
          %shift_right_arithmetic3A_128 = vector.broadcast %shift_right_arithmetic3A : i32 to vector<16xi32>
          %shift_right_arithmetic3A_129 = arith.shrsi %get3A_119, %shift_right_arithmetic3A_128 : vector<16xi32>
          %gather3A = tpu.vector_load_idx %arg8[%shift_right_arithmetic3A_129] : memref<100000xi32, #tpu.memory_space<vmem>>[vector<16xi32>], vector<16xi32>,
          %and3A = arith.constant 1 : i32
          %and3A_130 = vector.broadcast %and3A : i32 to vector<16xi32>
          %and3A_131 = arith.andi %get3A_119, %and3A_130 : vector<16xi32>
          %sub3A_132 = arith.constant 1 : i32
          %sub3A_133 = vector.broadcast %sub3A_132 : i32 to vector<16xi32>
          %sub3A_134 = arith.subi %sub3A_133, %and3A_131 : vector<16xi32>
          %shift_left3A = arith.constant 4 : i32
          %shift_left3A_135 = vector.broadcast %shift_left3A : i32 to vector<16xi32>
          %shift_left3A_136 = arith.shli %sub3A_134, %shift_left3A_135 : vector<16xi32>
          %shift_left3A_137 = arith.shli %gather3A, %shift_left3A_136 : vector<16xi32>
          %and3A_138 = arith.constant -65536 : i32
          %and3A_139 = vector.broadcast %and3A_138 : i32 to vector<16xi32>
          %and3A_140 = arith.andi %shift_left3A_137, %and3A_139 : vector<16xi32>
          %bitcast3A = vector.bitcast %and3A_140 : vector<16xi32> to vector<16xf32>
          %mul3A_141 = arith.mulf %sub3A_126, %bitcast3A : vector<16xf32>
          %add3A_142 = arith.addf %broadcast_in_dim3A_116, %mul3A_141 : vector<16xf32>
          %add3A_143 = arith.constant 512 : i32
          %add3A_144 = arith.addi %add3A_143, %mul3A_113 : i32
          %get3A_145 = arith.index_cast %add3A_144 : i32 to index
          %get3A_146 = tpu.vector_load %arg10[%get3A_145] {strides = array<i32>} : memref<4096xi32, #tpu.memory_space<vmem>>, vector<16xi32>,
          %get3A_147 = arith.index_cast %add3A_144 : i32 to index
          %get3A_148 = tpu.vector_load %arg12[%get3A_147] {strides = array<i32>} : memref<4096xf32, #tpu.memory_space<vmem>>, vector<16xf32>,
          %mul3A_149 = arith.constant 1.000000e+04 : f32
          %mul3A_150 = vector.broadcast %mul3A_149 : f32 to vector<16xf32>
          %mul3A_151 = arith.mulf %get3A_148, %mul3A_150 : vector<16xf32>
          %sub3A_152 = arith.constant 1.000000e+00 : f32
          %sub3A_153 = vector.broadcast %sub3A_152 : f32 to vector<16xf32>
          %sub3A_154 = arith.subf %sub3A_153, %mul3A_151 : vector<16xf32>
          %add3A_155 = arith.addf %add3A_127, %sub3A_154 : vector<16xf32>
          %shift_right_arithmetic3A_156 = arith.constant 1 : i32
          %shift_right_arithmetic3A_157 = vector.broadcast %shift_right_arithmetic3A_156 : i32 to vector<16xi32>
          %shift_right_arithmetic3A_158 = arith.shrsi %get3A_146, %shift_right_arithmetic3A_157 : vector<16xi32>
          %gather3A_159 = tpu.vector_load_idx %arg8[%shift_right_arithmetic3A_158] : memref<100000xi32, #tpu.memory_space<vmem>>[vector<16xi32>], vector<16xi32>,
          %and3A_160 = arith.constant 1 : i32
          %and3A_161 = vector.broadcast %and3A_160 : i32 to vector<16xi32>
          %and3A_162 = arith.andi %get3A_146, %and3A_161 : vector<16xi32>
          %sub3A_163 = arith.constant 1 : i32
          %sub3A_164 = vector.broadcast %sub3A_163 : i32 to vector<16xi32>
          %sub3A_165 = arith.subi %sub3A_164, %and3A_162 : vector<16xi32>
          %shift_left3A_166 = arith.constant 4 : i32
          %shift_left3A_167 = vector.broadcast %shift_left3A_166 : i32 to vector<16xi32>
          %shift_left3A_168 = arith.shli %sub3A_165, %shift_left3A_167 : vector<16xi32>
          %shift_left3A_169 = arith.shli %gather3A_159, %shift_left3A_168 : vector<16xi32>
          %and3A_170 = arith.constant -65536 : i32
          %and3A_171 = vector.broadcast %and3A_170 : i32 to vector<16xi32>
          %and3A_172 = arith.andi %shift_left3A_169, %and3A_171 : vector<16xi32>
          %bitcast3A_173 = vector.bitcast %and3A_172 : vector<16xi32> to vector<16xf32>
          %mul3A_174 = arith.mulf %sub3A_154, %bitcast3A_173 : vector<16xf32>
          %add3A_175 = arith.addf %add3A_142, %mul3A_174 : vector<16xf32>
          %add3A_176 = arith.constant 1024 : i32
          %add3A_177 = arith.addi %add3A_176, %mul3A_113 : i32
          %get3A_178 = arith.index_cast %add3A_177 : i32 to index
          %get3A_179 = tpu.vector_load %arg10[%get3A_178] {strides = array<i32>} : memref<4096xi32, #tpu.memory_space<vmem>>, vector<16xi32>,
          %get3A_180 = arith.index_cast %add3A_177 : i32 to index
          %get3A_181 = tpu.vector_load %arg12[%get3A_180] {strides = array<i32>} : memref<4096xf32, #tpu.memory_space<vmem>>, vector<16xf32>,
          %mul3A_182 = arith.constant 1.000000e+04 : f32
          %mul3A_183 = vector.broadcast %mul3A_182 : f32 to vector<16xf32>
          %mul3A_184 = arith.mulf %get3A_181, %mul3A_183 : vector<16xf32>
          %sub3A_185 = arith.constant 1.000000e+00 : f32
          %sub3A_186 = vector.broadcast %sub3A_185 : f32 to vector<16xf32>
          %sub3A_187 = arith.subf %sub3A_186, %mul3A_184 : vector<16xf32>
          %add3A_188 = arith.addf %add3A_155, %sub3A_187 : vector<16xf32>
          %shift_right_arithmetic3A_189 = arith.constant 1 : i32
          %shift_right_arithmetic3A_190 = vector.broadcast %shift_right_arithmetic3A_189 : i32 to vector<16xi32>
          %shift_right_arithmetic3A_191 = arith.shrsi %get3A_179, %shift_right_arithmetic3A_190 : vector<16xi32>
          %gather3A_192 = tpu.vector_load_idx %arg8[%shift_right_arithmetic3A_191] : memref<100000xi32, #tpu.memory_space<vmem>>[vector<16xi32>], vector<16xi32>,
          %and3A_193 = arith.constant 1 : i32
          %and3A_194 = vector.broadcast %and3A_193 : i32 to vector<16xi32>
          %and3A_195 = arith.andi %get3A_179, %and3A_194 : vector<16xi32>
          %sub3A_196 = arith.constant 1 : i32
          %sub3A_197 = vector.broadcast %sub3A_196 : i32 to vector<16xi32>
          %sub3A_198 = arith.subi %sub3A_197, %and3A_195 : vector<16xi32>
          %shift_left3A_199 = arith.constant 4 : i32
          %shift_left3A_200 = vector.broadcast %shift_left3A_199 : i32 to vector<16xi32>
          %shift_left3A_201 = arith.shli %sub3A_198, %shift_left3A_200 : vector<16xi32>
          %shift_left3A_202 = arith.shli %gather3A_192, %shift_left3A_201 : vector<16xi32>
          %and3A_203 = arith.constant -65536 : i32
          %and3A_204 = vector.broadcast %and3A_203 : i32 to vector<16xi32>
          %and3A_205 = arith.andi %shift_left3A_202, %and3A_204 : vector<16xi32>
          %bitcast3A_206 = vector.bitcast %and3A_205 : vector<16xi32> to vector<16xf32>
          %mul3A_207 = arith.mulf %sub3A_187, %bitcast3A_206 : vector<16xf32>
          %add3A_208 = arith.addf %add3A_175, %mul3A_207 : vector<16xf32>
          %add3A_209 = arith.constant 1536 : i32
          %add3A_210 = arith.addi %add3A_209, %mul3A_113 : i32
          %get3A_211 = arith.index_cast %add3A_210 : i32 to index
          %get3A_212 = tpu.vector_load %arg10[%get3A_211] {strides = array<i32>} : memref<4096xi32, #tpu.memory_space<vmem>>, vector<16xi32>,
          %get3A_213 = arith.index_cast %add3A_210 : i32 to index
          %get3A_214 = tpu.vector_load %arg12[%get3A_213] {strides = array<i32>} : memref<4096xf32, #tpu.memory_space<vmem>>, vector<16xf32>,
          %mul3A_215 = arith.constant 1.000000e+04 : f32
          %mul3A_216 = vector.broadcast %mul3A_215 : f32 to vector<16xf32>
          %mul3A_217 = arith.mulf %get3A_214, %mul3A_216 : vector<16xf32>
          %sub3A_218 = arith.constant 1.000000e+00 : f32
          %sub3A_219 = vector.broadcast %sub3A_218 : f32 to vector<16xf32>
          %sub3A_220 = arith.subf %sub3A_219, %mul3A_217 : vector<16xf32>
          %add3A_221 = arith.addf %add3A_188, %sub3A_220 : vector<16xf32>
          %shift_right_arithmetic3A_222 = arith.constant 1 : i32
          %shift_right_arithmetic3A_223 = vector.broadcast %shift_right_arithmetic3A_222 : i32 to vector<16xi32>
          %shift_right_arithmetic3A_224 = arith.shrsi %get3A_212, %shift_right_arithmetic3A_223 : vector<16xi32>
          %gather3A_225 = tpu.vector_load_idx %arg8[%shift_right_arithmetic3A_224] : memref<100000xi32, #tpu.memory_space<vmem>>[vector<16xi32>], vector<16xi32>,
          %and3A_226 = arith.constant 1 : i32
          %and3A_227 = vector.broadcast %and3A_226 : i32 to vector<16xi32>
          %and3A_228 = arith.andi %get3A_212, %and3A_227 : vector<16xi32>
          %sub3A_229 = arith.constant 1 : i32
          %sub3A_230 = vector.broadcast %sub3A_229 : i32 to vector<16xi32>
          %sub3A_231 = arith.subi %sub3A_230, %and3A_228 : vector<16xi32>
          %shift_left3A_232 = arith.constant 4 : i32
          %shift_left3A_233 = vector.broadcast %shift_left3A_232 : i32 to vector<16xi32>
          %shift_left3A_234 = arith.shli %sub3A_231, %shift_left3A_233 : vector<16xi32>
          %shift_left3A_235 = arith.shli %gather3A_225, %shift_left3A_234 : vector<16xi32>
          %and3A_236 = arith.constant -65536 : i32
          %and3A_237 = vector.broadcast %and3A_236 : i32 to vector<16xi32>
          %and3A_238 = arith.andi %shift_left3A_235, %and3A_237 : vector<16xi32>
          %bitcast3A_239 = vector.bitcast %and3A_238 : vector<16xi32> to vector<16xf32>
          %mul3A_240 = arith.mulf %sub3A_220, %bitcast3A_239 : vector<16xf32>
          %add3A_241 = arith.addf %add3A_208, %mul3A_240 : vector<16xf32>
          %add3A_242 = arith.constant 2048 : i32
          %add3A_243 = arith.addi %add3A_242, %mul3A_113 : i32
          %get3A_244 = arith.index_cast %add3A_243 : i32 to index
          %get3A_245 = tpu.vector_load %arg10[%get3A_244] {strides = array<i32>} : memref<4096xi32, #tpu.memory_space<vmem>>, vector<16xi32>,
          %get3A_246 = arith.index_cast %add3A_243 : i32 to index
          %get3A_247 = tpu.vector_load %arg12[%get3A_246] {strides = array<i32>} : memref<4096xf32, #tpu.memory_space<vmem>>, vector<16xf32>,
          %mul3A_248 = arith.constant 1.000000e+04 : f32
          %mul3A_249 = vector.broadcast %mul3A_248 : f32 to vector<16xf32>
          %mul3A_250 = arith.mulf %get3A_247, %mul3A_249 : vector<16xf32>
          %sub3A_251 = arith.constant 1.000000e+00 : f32
          %sub3A_252 = vector.broadcast %sub3A_251 : f32 to vector<16xf32>
          %sub3A_253 = arith.subf %sub3A_252, %mul3A_250 : vector<16xf32>
          %add3A_254 = arith.addf %add3A_221, %sub3A_253 : vector<16xf32>
          %shift_right_arithmetic3A_255 = arith.constant 1 : i32
          %shift_right_arithmetic3A_256 = vector.broadcast %shift_right_arithmetic3A_255 : i32 to vector<16xi32>
          %shift_right_arithmetic3A_257 = arith.shrsi %get3A_245, %shift_right_arithmetic3A_256 : vector<16xi32>
          %gather3A_258 = tpu.vector_load_idx %arg8[%shift_right_arithmetic3A_257] : memref<100000xi32, #tpu.memory_space<vmem>>[vector<16xi32>], vector<16xi32>,
          %and3A_259 = arith.constant 1 : i32
          %and3A_260 = vector.broadcast %and3A_259 : i32 to vector<16xi32>
          %and3A_261 = arith.andi %get3A_245, %and3A_260 : vector<16xi32>
          %sub3A_262 = arith.constant 1 : i32
          %sub3A_263 = vector.broadcast %sub3A_262 : i32 to vector<16xi32>
          %sub3A_264 = arith.subi %sub3A_263, %and3A_261 : vector<16xi32>
          %shift_left3A_265 = arith.constant 4 : i32
          %shift_left3A_266 = vector.broadcast %shift_left3A_265 : i32 to vector<16xi32>
          %shift_left3A_267 = arith.shli %sub3A_264, %shift_left3A_266 : vector<16xi32>
          %shift_left3A_268 = arith.shli %gather3A_258, %shift_left3A_267 : vector<16xi32>
          %and3A_269 = arith.constant -65536 : i32
          %and3A_270 = vector.broadcast %and3A_269 : i32 to vector<16xi32>
          %and3A_271 = arith.andi %shift_left3A_268, %and3A_270 : vector<16xi32>
          %bitcast3A_272 = vector.bitcast %and3A_271 : vector<16xi32> to vector<16xf32>
          %mul3A_273 = arith.mulf %sub3A_253, %bitcast3A_272 : vector<16xf32>
          %add3A_274 = arith.addf %add3A_241, %mul3A_273 : vector<16xf32>
          %add3A_275 = arith.constant 2560 : i32
          %add3A_276 = arith.addi %add3A_275, %mul3A_113 : i32
          %get3A_277 = arith.index_cast %add3A_276 : i32 to index
          %get3A_278 = tpu.vector_load %arg10[%get3A_277] {strides = array<i32>} : memref<4096xi32, #tpu.memory_space<vmem>>, vector<16xi32>,
          %get3A_279 = arith.index_cast %add3A_276 : i32 to index
          %get3A_280 = tpu.vector_load %arg12[%get3A_279] {strides = array<i32>} : memref<4096xf32, #tpu.memory_space<vmem>>, vector<16xf32>,
          %mul3A_281 = arith.constant 1.000000e+04 : f32
          %mul3A_282 = vector.broadcast %mul3A_281 : f32 to vector<16xf32>
          %mul3A_283 = arith.mulf %get3A_280, %mul3A_282 : vector<16xf32>
          %sub3A_284 = arith.constant 1.000000e+00 : f32
          %sub3A_285 = vector.broadcast %sub3A_284 : f32 to vector<16xf32>
          %sub3A_286 = arith.subf %sub3A_285, %mul3A_283 : vector<16xf32>
          %add3A_287 = arith.addf %add3A_254, %sub3A_286 : vector<16xf32>
          %shift_right_arithmetic3A_288 = arith.constant 1 : i32
          %shift_right_arithmetic3A_289 = vector.broadcast %shift_right_arithmetic3A_288 : i32 to vector<16xi32>
          %shift_right_arithmetic3A_290 = arith.shrsi %get3A_278, %shift_right_arithmetic3A_289 : vector<16xi32>
          %gather3A_291 = tpu.vector_load_idx %arg8[%shift_right_arithmetic3A_290] : memref<100000xi32, #tpu.memory_space<vmem>>[vector<16xi32>], vector<16xi32>,
          %and3A_292 = arith.constant 1 : i32
          %and3A_293 = vector.broadcast %and3A_292 : i32 to vector<16xi32>
          %and3A_294 = arith.andi %get3A_278, %and3A_293 : vector<16xi32>
          %sub3A_295 = arith.constant 1 : i32
          %sub3A_296 = vector.broadcast %sub3A_295 : i32 to vector<16xi32>
          %sub3A_297 = arith.subi %sub3A_296, %and3A_294 : vector<16xi32>
          %shift_left3A_298 = arith.constant 4 : i32
          %shift_left3A_299 = vector.broadcast %shift_left3A_298 : i32 to vector<16xi32>
          %shift_left3A_300 = arith.shli %sub3A_297, %shift_left3A_299 : vector<16xi32>
          %shift_left3A_301 = arith.shli %gather3A_291, %shift_left3A_300 : vector<16xi32>
          %and3A_302 = arith.constant -65536 : i32
          %and3A_303 = vector.broadcast %and3A_302 : i32 to vector<16xi32>
          %and3A_304 = arith.andi %shift_left3A_301, %and3A_303 : vector<16xi32>
          %bitcast3A_305 = vector.bitcast %and3A_304 : vector<16xi32> to vector<16xf32>
          %mul3A_306 = arith.mulf %sub3A_286, %bitcast3A_305 : vector<16xf32>
          %add3A_307 = arith.addf %add3A_274, %mul3A_306 : vector<16xf32>
          %add3A_308 = arith.constant 3072 : i32
          %add3A_309 = arith.addi %add3A_308, %mul3A_113 : i32
          %get3A_310 = arith.index_cast %add3A_309 : i32 to index
          %get3A_311 = tpu.vector_load %arg10[%get3A_310] {strides = array<i32>} : memref<4096xi32, #tpu.memory_space<vmem>>, vector<16xi32>,
          %get3A_312 = arith.index_cast %add3A_309 : i32 to index
          %get3A_313 = tpu.vector_load %arg12[%get3A_312] {strides = array<i32>} : memref<4096xf32, #tpu.memory_space<vmem>>, vector<16xf32>,
          %mul3A_314 = arith.constant 1.000000e+04 : f32
          %mul3A_315 = vector.broadcast %mul3A_314 : f32 to vector<16xf32>
          %mul3A_316 = arith.mulf %get3A_313, %mul3A_315 : vector<16xf32>
          %sub3A_317 = arith.constant 1.000000e+00 : f32
          %sub3A_318 = vector.broadcast %sub3A_317 : f32 to vector<16xf32>
          %sub3A_319 = arith.subf %sub3A_318, %mul3A_316 : vector<16xf32>
          %add3A_320 = arith.addf %add3A_287, %sub3A_319 : vector<16xf32>
          %shift_right_arithmetic3A_321 = arith.constant 1 : i32
          %shift_right_arithmetic3A_322 = vector.broadcast %shift_right_arithmetic3A_321 : i32 to vector<16xi32>
          %shift_right_arithmetic3A_323 = arith.shrsi %get3A_311, %shift_right_arithmetic3A_322 : vector<16xi32>
          %gather3A_324 = tpu.vector_load_idx %arg8[%shift_right_arithmetic3A_323] : memref<100000xi32, #tpu.memory_space<vmem>>[vector<16xi32>], vector<16xi32>,
          %and3A_325 = arith.constant 1 : i32
          %and3A_326 = vector.broadcast %and3A_325 : i32 to vector<16xi32>
          %and3A_327 = arith.andi %get3A_311, %and3A_326 : vector<16xi32>
          %sub3A_328 = arith.constant 1 : i32
          %sub3A_329 = vector.broadcast %sub3A_328 : i32 to vector<16xi32>
          %sub3A_330 = arith.subi %sub3A_329, %and3A_327 : vector<16xi32>
          %shift_left3A_331 = arith.constant 4 : i32
          %shift_left3A_332 = vector.broadcast %shift_left3A_331 : i32 to vector<16xi32>
          %shift_left3A_333 = arith.shli %sub3A_330, %shift_left3A_332 : vector<16xi32>
          %shift_left3A_334 = arith.shli %gather3A_324, %shift_left3A_333 : vector<16xi32>
          %and3A_335 = arith.constant -65536 : i32
          %and3A_336 = vector.broadcast %and3A_335 : i32 to vector<16xi32>
          %and3A_337 = arith.andi %shift_left3A_334, %and3A_336 : vector<16xi32>
          %bitcast3A_338 = vector.bitcast %and3A_337 : vector<16xi32> to vector<16xf32>
          %mul3A_339 = arith.mulf %sub3A_319, %bitcast3A_338 : vector<16xf32>
          %add3A_340 = arith.addf %add3A_307, %mul3A_339 : vector<16xf32>
          %add3A_341 = arith.constant 3584 : i32
          %add3A_342 = arith.addi %add3A_341, %mul3A_113 : i32
          %get3A_343 = arith.index_cast %add3A_342 : i32 to index
          %get3A_344 = tpu.vector_load %arg10[%get3A_343] {strides = array<i32>} : memref<4096xi32, #tpu.memory_space<vmem>>, vector<16xi32>,
          %get3A_345 = arith.index_cast %add3A_342 : i32 to index
          %get3A_346 = tpu.vector_load %arg12[%get3A_345] {strides = array<i32>} : memref<4096xf32, #tpu.memory_space<vmem>>, vector<16xf32>,
          %mul3A_347 = arith.constant 1.000000e+04 : f32
          %mul3A_348 = vector.broadcast %mul3A_347 : f32 to vector<16xf32>
          %mul3A_349 = arith.mulf %get3A_346, %mul3A_348 : vector<16xf32>
          %sub3A_350 = arith.constant 1.000000e+00 : f32
          %sub3A_351 = vector.broadcast %sub3A_350 : f32 to vector<16xf32>
          %sub3A_352 = arith.subf %sub3A_351, %mul3A_349 : vector<16xf32>
          %add3A_353 = arith.addf %add3A_320, %sub3A_352 : vector<16xf32>
          %shift_right_arithmetic3A_354 = arith.constant 1 : i32
          %shift_right_arithmetic3A_355 = vector.broadcast %shift_right_arithmetic3A_354 : i32 to vector<16xi32>
          %shift_right_arithmetic3A_356 = arith.shrsi %get3A_344, %shift_right_arithmetic3A_355 : vector<16xi32>
          %gather3A_357 = tpu.vector_load_idx %arg8[%shift_right_arithmetic3A_356] : memref<100000xi32, #tpu.memory_space<vmem>>[vector<16xi32>], vector<16xi32>,
          %and3A_358 = arith.constant 1 : i32
          %and3A_359 = vector.broadcast %and3A_358 : i32 to vector<16xi32>
          %and3A_360 = arith.andi %get3A_344, %and3A_359 : vector<16xi32>
          %sub3A_361 = arith.constant 1 : i32
          %sub3A_362 = vector.broadcast %sub3A_361 : i32 to vector<16xi32>
          %sub3A_363 = arith.subi %sub3A_362, %and3A_360 : vector<16xi32>
          %shift_left3A_364 = arith.constant 4 : i32
          %shift_left3A_365 = vector.broadcast %shift_left3A_364 : i32 to vector<16xi32>
          %shift_left3A_366 = arith.shli %sub3A_363, %shift_left3A_365 : vector<16xi32>
          %shift_left3A_367 = arith.shli %gather3A_357, %shift_left3A_366 : vector<16xi32>
          %and3A_368 = arith.constant -65536 : i32
          %and3A_369 = vector.broadcast %and3A_368 : i32 to vector<16xi32>
          %and3A_370 = arith.andi %shift_left3A_367, %and3A_369 : vector<16xi32>
          %bitcast3A_371 = vector.bitcast %and3A_370 : vector<16xi32> to vector<16xf32>
          %mul3A_372 = arith.mulf %sub3A_352, %bitcast3A_371 : vector<16xf32>
          %add3A_373 = arith.addf %add3A_340, %mul3A_372 : vector<16xf32>
          %div3A = arith.constant 1.000000e+00 : f32
          %div3A_374 = vector.broadcast %div3A : f32 to vector<16xf32>
          %div3A_375 = arith.divf %div3A_374, %add3A_353 : vector<16xf32>
          %mul3A_376 = arith.mulf %add3A_373, %div3A_375 : vector<16xf32>
          %swap3A = arith.index_cast %mul3A_113 : i32 to index
          %swap3A_377 = tpu.vector_load %arg16[%swap3A] {strides = array<i32>} : memref<512xf32, #tpu.memory_space<vmem>>, vector<16xf32>,
          tpu.vector_store %arg16[%swap3A], %mul3A_376 {strides = array<i32>} : memref<512xf32, #tpu.memory_space<vmem>>, vector<16xf32>,
        }
        %scan3A_105 = arith.constant 32 : i32
        %add3A_106 = arith.addi %mul3A_0, %add3A_69 : i32
        "tpu.region"() ({
          %run_scoped3A = tpu.sem_alloc : memref<!tpu.dma_semaphore, #tpu.memory_space<semaphore_mem>>
          %dma_start3A_107 = arith.constant 0 : i32
          %dma_start3A_108 = tpu.memref_slice %arg7[%add3A_106, %dma_start3A_107] : memref<1024x512xf32, #tpu.memory_space<hbm>> -> memref<1x512xf32, #tpu.memory_space<hbm>>
          %dma_start3A_109 = tpu.memref_squeeze %dma_start3A_108 : memref<1x512xf32, #tpu.memory_space<hbm>> -> memref<512xf32, #tpu.memory_space<hbm>>
          %dma_start3A_110 = arith.constant 0 : i32
          %dma_start3A_111 = tpu.memref_slice %arg7[%add3A_106, %dma_start3A_110] : memref<1024x512xf32, #tpu.memory_space<hbm>> -> memref<1x512xf32, #tpu.memory_space<hbm>>
          %dma_start3A_112 = tpu.memref_squeeze %dma_start3A_111 : memref<1x512xf32, #tpu.memory_space<hbm>> -> memref<512xf32, #tpu.memory_space<hbm>>
          tpu.enqueue_dma source(%arg16 : memref<512xf32, #tpu.memory_space<vmem>>) target(%dma_start3A_112 : memref<512xf32, #tpu.memory_space<hbm>>) target_semaphore(%run_scoped3A : memref<!tpu.dma_semaphore, #tpu.memory_space<semaphore_mem>>)
          %dma_wait3A_113 = arith.constant 0 : i32
          %dma_wait3A_114 = tpu.memref_slice %arg7[%add3A_106, %dma_wait3A_113] : memref<1024x512xf32, #tpu.memory_space<hbm>> -> memref<1x512xf32, #tpu.memory_space<hbm>>
          %dma_wait3A_115 = tpu.memref_squeeze %dma_wait3A_114 : memref<1x512xf32, #tpu.memory_space<hbm>> -> memref<512xf32, #tpu.memory_space<hbm>>
          %dma_wait3A_116 = arith.constant 0 : i32
          %dma_wait3A_117 = tpu.memref_slice %arg7[%add3A_106, %dma_wait3A_116] : memref<1024x512xf32, #tpu.memory_space<hbm>> -> memref<1x512xf32, #tpu.memory_space<hbm>>
          %dma_wait3A_118 = tpu.memref_squeeze %dma_wait3A_117 : memref<1x512xf32, #tpu.memory_space<hbm>> -> memref<512xf32, #tpu.memory_space<hbm>>
          tpu.wait_dma2 semaphore(%run_scoped3A : memref<!tpu.dma_semaphore, #tpu.memory_space<semaphore_mem>>) src(%arg16 : memref<512xf32, #tpu.memory_space<vmem>>) dst(%dma_wait3A_118 : memref<512xf32, #tpu.memory_space<hbm>>)
          tpu.yield
        }) : () -> ()
      } else {
      }
    }
    %scan3A_31 = arith.constant 32 : i32
    return
  }
}

</mosaic_0001>

<sc_bundles>
// kernel: kernel.3.cloned.1.call-start
scs
__scs_entry_jumppad:
0x0: {  	(pc) =	sbr.rel $0x88, $3  }
0x1: {  	(tag) =	ssettag $0x0;
	lr =	simm.s32 $0x1  }
0x2: {  	[smem:$0x3F9E] =	sst lr;
	_ =	strace $0xD0000000  }
0x3: {  	_ = 	snop  }
0x4: {  	_ = 	snop  }
0x5: {  	_ = 	snop  }
0x6: {  	_ = 	snop  }
0x7: {  	_ = 	snop  }
__scs_overlays_trampoline_lowered:
0x8: {  	[smem:$0x3FAD] =	sst s0  }
0x9: {  	[smem:$0x3FAE] =	sst s1  }
0xa: {  	[smem:$0x3FAF] =	sst s2  }
0xb: {  	[smem:$0x3FB0] =	sst s3  }
0xc: {  	[smem:$0x3FB1] =	sst s4  }
0xd: {  	[smem:$0x3FB2] =	sst s5  }
0xe: {  	[smem:$0x3FB3] =	sst s6  }
0xf: {  	[smem:$0x3FB4] =	sst s7  }
0x10: {  	[smem:$0x3FB5] =	sst s8  }
0x11: {  	[smem:$0x3FB6] =	sst s9;
	s0 =	simm.s32 @!p0 $0x0  }
0x12: {  	s1 =	sld [smem:$0x3F9C];
	s0 =	simm.s32 @p0 $0x1  }
0x13: {  	[smem:$0x3FB7] =	sst s0;
	s0 =	simm.s32 @!p1 $0x0  }
0x14: {  	s2 =	sld [smem:$0x3F9B];
	s0 =	simm.s32 @p1 $0x1  }
0x15: {  	[smem:$0x3FB8] =	sst s0;
	s0 =	simm.s32 @!p2 $0x0  }
0x16: {  	s3 =	sld [smem:$0x3FDB];
	s0 =	simm.s32 @p2 $0x1  }
0x17: {  	s4 =	simm.s32 $0x1BF5;
	[smem:$0x3FBA] =	sst s0  }
0x18: {  	s0 =	sld [smem:$0x3F9D];
	_ =	swait.ge [sflag:s4], $0x0  }
0x19: {  	s7 =	sld [smem:$0x3F9E]  }
0x1a: {  	s8 =	sadd.s32 $0xFFFFE003, lr  }
0x1b: {  	s9 =	sadd.s32 $0xFFFFFEF7, lr;
	s5 =	simm.s32 $0xFFFFFFFF;
	p2 =	slt.u32 s8, $0xFFFFF086  }
0x1c: {  	p1 =	slt.u32 s9, $0xF7A;
	s5 =	simm.s32 @!p2 $0x0  }
0x1d: {  	s5 =	simm.s32 @p1 $0x1;
	p0 =	seq.s32 s7, s2  }
0x1e: {  	s7 =	smul.u32 @!p0 $0xF7A, s2;
	p2 =	seq.s32 @!p0 s5, $0x0  }
0x1f: {  	s9 =	smul.u32 $0xF7A, s1;
	s8 =	simm.s32 @!p0 $0x1BF5;
	p2 =	por !p2, p0  }
0x20: {  	[sflag:s8] =	ssyncset.s32 @!p0 $0xFFFFF086;
	s6 =	sadd.s32 @!p0 s3, s7;
	s7 =	simm.s32 @!p0 $0x108  }
0x21: {  	s3 =	sadd.s32 s3, s9;
	s6 =	sadd.s32 @!p0 $0x88, s6;
	s7 =	simm.s32 @p2 $0x1082  }
0x22: {  	[simem:s7], [sflag:s8] =	dma.local @!p0 [hbm:s6], $0xF7A  }
0x23: {  	s9 =	sor.u32 $0xD0000000, s2;
	s6 =	simm.s32 $0x108;
	_ =	swait.ge @!p0 [sflag:s8], $0x0  }
0x24: {  	s3 =	sadd.s32 $0x88, s3;
	s6 =	simm.s32 @!p1 $0x1082;
	[sflag:s4] =	ssyncset.s32 $0xFFFFF086  }
0x25: {  	[simem:s6], [sflag:s4] =	dma.local [hbm:s3], $0xF7A  }
0x26: {  	[smem:$0x3F9E] =	sst s1;
	(tag) =	ssettag s2;
	_ =	strace s9  }
0x27: {  	s1 =	sld [smem:$0x3FAE]  }
0x28: {  	s2 =	sld [smem:$0x3FAF]  }
0x29: {  	s4 =	sld [smem:$0x3FB1]  }
0x2a: {  	p0 =	seq.s32 s5, $0x0;
	s5 =	sld [smem:$0x3FB2]  }
0x2b: {  	s6 =	sld [smem:$0x3FB3]  }
0x2c: {  	s7 =	sld [smem:$0x3FB4]  }
0x2d: {  	s3 =	simm.s32 $0x108;
	s8 =	sld [smem:$0x3FB5]  }
0x2e: {  	s3 =	simm.s32 @!p0 $0x1082;
	s9 =	sld [smem:$0x3FB6]  }
0x2f: {  	lr =	sadd.s32 s0, s3;
	s0 =	sld [smem:$0x3FAD]  }
0x30: {  	s3 =	sld [smem:$0x3FB0]  }
0x31: {  	[smem:$0x3FB9] =	sst s10  }
0x32: {  	s10 =	sld [smem:$0x3FB7];
	_ =	sdelay $0x3  }
0x33: {  	p0 =	seq.s32 s10, $0x1;
	s10 =	sld [smem:$0x3FB9];
	_ =	sdelay $0x3  }
0x34: {  	[smem:$0x3FB9] =	sst s10  }
0x35: {  	s10 =	sld [smem:$0x3FB8];
	_ =	sdelay $0x3  }
0x36: {  	p1 =	seq.s32 s10, $0x1;
	s10 =	sld [smem:$0x3FB9];
	_ =	sdelay $0x3  }
0x37: {  	[smem:$0x3FB9] =	sst s10  }
0x38: {  	s10 =	sld [smem:$0x3FBA]  }
0x39: {  	_ = 	snop;
	(pc) =	sbr.ind lr, $3  }
0x3a: {  	_ = 	snop  }
0x3b: {  	_ = 	snop  }
0x3c: {  	p2 =	seq.s32 s10, $0x1;
	s10 =	sld [smem:$0x3FB9]  }
0x3d: {  	_ =	shalt  }
0x3e: {  	_ =	shalt  }
0x3f: {  	_ =	shalt  }
0x40: {  	_ =	shalt  }
0x41: {  	_ =	shalt  }
0x42: {  	_ =	shalt  }
0x43: {  	_ =	shalt  }
0x44: {  	_ =	shalt  }
0x45: {  	_ =	shalt  }
0x46: {  	_ =	shalt  }
0x47: {  	_ =	shalt  }
0x48: {  	_ =	shalt  }
0x49: {  	_ =	shalt  }
0x4a: {  	_ =	shalt  }
0x4b: {  	_ =	shalt  }
0x4c: {  	_ =	shalt  }
0x4d: {  	_ =	shalt  }
0x4e: {  	_ =	shalt  }
0x4f: {  	_ =	shalt  }
0x50: {  	_ =	shalt  }
0x51: {  	_ =	shalt  }
0x52: {  	_ =	shalt  }
0x53: {  	_ =	shalt  }
0x54: {  	_ =	shalt  }
0x55: {  	_ =	shalt  }
0x56: {  	_ =	shalt  }
0x57: {  	_ =	shalt  }
0x58: {  	_ =	shalt  }
0x59: {  	_ =	shalt  }
0x5a: {  	_ =	shalt  }
0x5b: {  	_ =	shalt  }
0x5c: {  	_ =	shalt  }
0x5d: {  	_ =	shalt  }
0x5e: {  	_ =	shalt  }
0x5f: {  	_ =	shalt  }
0x60: {  	_ =	shalt  }
0x61: {  	_ =	shalt  }
0x62: {  	_ =	shalt  }
0x63: {  	_ =	shalt  }
0x64: {  	_ =	shalt  }
0x65: {  	_ =	shalt  }
0x66: {  	_ =	shalt  }
0x67: {  	_ =	shalt  }
0x68: {  	_ =	shalt  }
0x69: {  	_ =	shalt  }
0x6a: {  	_ =	shalt  }
0x6b: {  	_ =	shalt  }
0x6c: {  	_ =	shalt  }
0x6d: {  	_ =	shalt  }
0x6e: {  	_ =	shalt  }
0x6f: {  	_ =	shalt  }
0x70: {  	_ =	shalt  }
0x71: {  	_ =	shalt  }
0x72: {  	_ =	shalt  }
0x73: {  	_ =	shalt  }
0x74: {  	_ =	shalt  }
0x75: {  	_ =	shalt  }
0x76: {  	_ =	shalt  }
0x77: {  	_ =	shalt  }
0x78: {  	_ =	shalt  }
0x79: {  	_ =	shalt  }
0x7a: {  	_ =	shalt  }
0x7b: {  	_ =	shalt  }
0x7c: {  	_ =	shalt  }
0x7d: {  	_ =	shalt  }
0x7e: {  	_ =	shalt  }
0x7f: {  	_ =	shalt  }
0x80: {  	_ =	shalt  }
0x81: {  	_ =	shalt  }
0x82: {  	_ =	shalt  }
0x83: {  	_ =	shalt  }
0x84: {  	_ =	shalt  }
0x85: {  	_ =	shalt  }
0x86: {  	_ =	shalt  }
0x87: {  	_ =	shalt  }
.Lfunc_end0:
.L_simem_size_0:
called_computation_lowered:
.L_overlay_start_0:
0x88: {  	s2 =	sld [smem:$0x3FD9]  }
0x89: {  	s3 =	sld [smem:$0x3FFE];
	_ =	sdelay $0x1  }
0x8a: {  	s1 =	srdreg.scid  }
0x8b: {  	s0 =	sand.u32 $0x1, s1  }
0x8c: {  	s14 =	sshll.u32 s0, $0xA;
	s2 =	sadd.s32 s3, s2  }
0x8d: {  	s2 =	sadd.s32 s2, s14  }
0x8e: {  	[smem:$0x3FC5] =	sst s2  }
0x8f: {  	_ = 	snop  }
0x90: {  	s2 =	sld [smem:$0x3FD0];
	_ =	sdelay $0x2  }
0x91: {  	s15 =	simm.s32 $0xA;
	s4 =	simm.s32 $0x10  }
0x92: {  	[smem:s4], [sflag:s15] =	dma.local [hbm:s2], $0x1  }
0x93: {  	_ =	swait.eq [sflag:s15], $0x1  }
0x94: {  	s16 =	sld [smem:$0x10];
	[sflag:s15] =	ssyncset.done $0x0  }
0x95: {  	s17 =	sld [smem:$0x11];
	[sflag:s15] =	ssyncadd.s32 $0xFFFFFFFF  }
0x96: {  	s18 =	sld [smem:$0x12];
	(tm) =	ssettm $0x1  }
0x97: {  	s5 =	sld [smem:$0x3FFB];
	_ =	sdelay $0x3  }
0x98: {  	_ =	strace s5  }
0x99: {  	s5 =	sld [smem:$0x3FFC];
	_ =	sdelay $0x3  }
0x9a: {  	_ =	strace s5  }
0x9b: {  	s5 =	sld [smem:$0x3FFD];
	_ =	sdelay $0x3  }
0x9c: {  	_ =	strace s5  }
0x9d: {  	_ =	strace $0x8FFFFFFF  }
0x9e: {  	s19 =	sld [smem:$0x3FDB];
	_ =	sdelay $0x1  }
0x9f: {  	s6 =	simm.s32 $_scs_section_size  }
0xa0: {  	s7 =	simm.s32 $_size__tile_overlayer_lowered;
	s8 =	simm.s32 $_tile_overlayer_lowered  }
0xa1: {  	s22 =	simm.s32 $0x1BFF;
	s21 =	sshll.u32 s8, $0x1;
	s5 =	sadd.s32 s6, s19  }
0xa2: {  	s9 =	simm.s32 $0x0;
	s20 =	sshll.u32 s7, $0x1;
	s7 =	sadd.s32 s21, s5  }
0xa3: {  	[timem:s9], [sflag:s22] =	dma.local [hbm:s7], s20  }
0xa4: {  	_ =	swait.ge [sflag:s22], s20  }
0xa5: {  	s6 =	ssub.s32 $0x0, s20;
	[sflag:s22] =	ssyncset.done $0x0  }
0xa6: {  	[sflag:s22] =	ssyncadd.s32 s6;
	_ =	sdelay $0x1  }
0xa7: {  	s23 =	simm.s32 $0x1B8B  }
0xa8: {  	_ =	swait.ge [sflag:s23], $0x1  }
0xa9: {  	[sflag:s23] =	ssyncset.done $0x0  }
0xaa: {  	s25 =	simm.s32 $0x1B8E;
	s24 =	sld [smem:$0x3FFE];
	[sflag:s23] =	ssyncadd.s32 $0xFFFFFFFF  }
0xab: {  	s26 =	simm.s32 $execute0_lowered;
	[smem:$0x3FD2] =	sst s25  }
0xac: {  	s7 =	sshll.u32 s26, $0x1;
	_ =	strace $0x80000046;
	[dreg:$0x1] =	wrdreg $0xFFFFFFFF  }
0xad: {  	s28 =	simm.s32 $_size_execute0_lowered;
	s5 =	sadd.s32 s5, s7;
	[dreg:$0x0] =	wrdreg $0x0  }
0xae: {  	s7 =	sshll.u32 s28, $0x1;
	[dreg:$0x2] =	wrdreg s5  }
0xaf: {  	[dreg:$0x3] =	wrdreg s7  }
0xb0: {  	[dreg:$0x4] =	wrdreg $0xC0  }
0xb1: {  	_ =	task [dreg:s9], $0x5FFFF  }
0xb2: {  	[dreg:$0x1] =	wrdreg $0xFFFFFFFF  }
0xb3: {  	[dreg:$0x0] =	wrdreg $0x60  }
0xb4: {  	[dreg:$0x2] =	wrdreg s18  }
0xb5: {  	[dreg:$0x3] =	wrdreg s17  }
0xb6: {  	[dreg:$0x4] =	wrdreg s24  }
0xb7: {  	[dreg:$0x5] =	wrdreg s16  }
0xb8: {  	[dreg:$0x6] =	wrdreg $0x9  }
0xb9: {  	_ =	task.clear_ibuf [dreg:s9], $0x7FFFF;
	_ =	strace $0x90000046  }
0xba: {  	s29 =	simm.s32 $0x9;
	_ =	strace $0x80000048  }
0xbb: {  	_ =	swait.ge [sflag:s29], $0x1  }
0xbc: {  	[sflag:s29] =	ssyncadd.s32 $0xFFFFFFFF  }
0xbd: {  	_ =	strace $0x90000048  }
0xbe: {  	_ =	sfence  }
0xbf: {  	s30 =	sld [smem:$0x0];
	_ =	sdelay $0x2  }
0xc0: {  	s31 =	sshll.u32 s1, $0xD;
	s1 =	sshrl.u32 s1, $0x2  }
0xc1: {  	s3 =	sand.u32 $0x4000, s31;
	s1 =	sadd.s32 s1, s30  }
0xc2: {  	s0 =	sor.u32 s3, s0;
	s1 =	sshll.u32 s1, $0x11  }
0xc3: {  	s0 =	sor.u32 s1, s0  }
0xc4: {  	s0 =	sadd.s32 $0x8F2B, s0  }
0xc5: {  	[sflag:s0] =	ssyncadd.remote.s32 $0x1  }
0xc6: {  	_ =	sfence.sel $0xFFFF  }
0xc7: {  	[dreg:$0x0] =	wrdreg $0xFFFFFFFF;
	(pc) =	sbr.abs _section_cstart, $3  }
0xc8: {  	[dreg:$0x1] =	wrdreg $0xFFFFFFFF  }
0xc9: {  	_ =	task.clear_ibuf [dreg:s9], $0x2FFFF;
	_ =	strace $0x9FFFFFFF  }
0xca: {  	(tm) =	ssettm $0x7FFFFFFF  }
0xcb: {  	_ =	shalt  }
tec
execute0_lowered:
.L_overlay_start_1:
0x0: {  	(tag) =	ssettag $0x1  }
0x1: {  	s1 =	rddreg [dreg:$0x0]  }
0x2: {  	s2 =	rddreg [dreg:$0x1]  }
0x3: {  	s0 =	rddreg [dreg:$0x2]  }
0x4: {  	s3 =	rddreg [dreg:$0x3]  }
0x5: {  	s4 =	simm.s32 $0x0;
	s5 =	srdreg.scid;
	s9 =	stileid.u32  }
0x6: {  	s12 =	simm.s32 $0x2200;
	s13 =	simm.s32 $0x5;
	s16 =	simm.s32 $0x196A0  }
0x7: {  	s17 =	simm.s32 $0x1B6A0;
	s18 =	simm.s32 $0x1;
	s19 =	simm.s32 $0x3  }
0x8: {  	s20 =	simm.s32 $0x1C6A0;
	s21 =	simm.s32 $0x6;
	s22 =	simm.s32 $0x2  }
0x9: {  	s23 =	simm.s32 $0x4;
	s24 =	simm.s32 $0x1CAA0;
	s25 =	simm.s32 $0x1D0A0  }
0xa: {  	s26 =	simm.s32 $0x1CEA0;
	s28 =	simm.s32 $0x0;
	[smem:$0x7FF] =	sst s4  }
0xb: {  	s5 =	sand.u32 $0x1, s5;
	s6 =	sadd.s32 $0x8600, s0;
	_ =	strace $0x80000047  }
.Ltmp0:
0xc: {  	s7 =	ssub.s32 $0x2, s5;
	p0 =	seq.s32 s5, $0x0;
	(pc) =	sbr.rel .LBB2_1-.Ltmp0, $4  }
0xd: {  	s8 =	sshrl.u32 s7, $0x1;
	s12 =	simm.s32 @!p0 $0x5400;
	p0 =	sne.s32 s5, $0x0  }
0xe: {  	s11 =	ssub.s32 s7, s8;
	s7 =	sshll.u32 s9, $0x6;
	s9 =	sshll.u32 s9, $0xF  }
0xf: {  	s12 =	sadd.s32 s12, s0;
	s31 =	sadd.s32 s1, s9;
	s9 =	sadd.s32 s2, s9  }
0x10: {  	s10 =	sor.u32 $0x2, s7;
	s11 =	smax.u32 s11, $0x1;
	[dreg:$0x5] =	wrdreg s31  }
.LBB2_17:
0x11: {  	s28 =	sadd.s32 $0x1, s28  }
0x12: {  	p1 =	sne.s32 s28, s11  }
.Ltmp1:
0x13: {  	_ = 	snop;
	(pc) =	sbr.rel @!p1 .LBB2_18-.Ltmp1, $1  }
0x14: {  	_ =	sdelay $0x3  }
.LBB2_1:
0x15: {  	[tilespmem:s4], [sflag:$0x5] =	stream.linear.gather [hbm4b:s12+s4], $0x186A0, $0x38;
	[tilespmem:$0x1D2A0] =	vst v63  }
0x16: {  	_ =	swait.ge [sflag:s13], $0x186A0  }
.Ltmp2:
0x17: {  	[sflag:s13] =	ssyncset.done $0x0;
	(pc) =	sbr.rel .LBB2_2-.Ltmp2, $4  }
0x18: {  	s5 =	simm.s32 $0x186A0;
	s0 =	rddreg [dreg:$0x5];
	[sflag:s13] =	ssyncadd.s32 $0xFFFE7960  }
0x19: {  	[tilespmem:s5], [sflag:$0x1] =	stream.linear.gather [hbm4b:s0+s4], $0x1000, $0x38;
	[tilespmem:$0x1D2A0] =	vst v63  }
0x1a: {  	s31 =	simm.s32 $0x1A6A0;
	s29 =	simm.s32 $0x0  }
0x1b: {  	[tilespmem:s31], [sflag:$0x3] =	stream.linear.gather [hbm4b:s9+s4], $0x1000, $0x38;
	[tilespmem:$0x1D2A0] =	vst v63  }
.LBB2_15:
0x1c: {  	v15 =	vadd.f32 v16, v15;
	v11 =	vmul.f32 v17, v11;
	v13 =	vshll.u32 v13, v18  }
0x1d: {  	v19 =	vld [tilespmem:s0+$0x196A0];
	v36 =	vxor.u32 $0xFFFFFFFF, v7;
	v37 =	vxor.u32 $0xFFFFFFFF, v4;
	v21 =	vxor.u32 $0xFFFFFFFF, v8  }
0x1e: {  	v35 =	vld [tilespmem:s0+$0x198A0];
	v39 =	vxor.u32 $0xFFFFFFFF, v9;
	v1 =	vmul.f32 $1.000000000e+04, v1;
	v2 =	vshra.s32 v2, $0x1  }
0x1f: {  	v20 =	vld [tilespmem:s0+$0x1B8A0];
	v22 =	vxor.u32 $0xFFFFFFFF, v12;
	v3 =	vmul.f32 $1.000000000e+04, v3;
	v13 =	vand.u32 $0xFFFF0000, v13  }
0x20: {  	v14 =	vmul.f32 $1.000000000e+04, v14;
	v11 =	vadd.f32 v11, v15;
	v5 =	vmul.f32 v13, v5  }
0x21: {  	v38 =	vld [tilespmem:s0+$0x1BAA0];
	v41 =	vshra.s32 v4, $0x1;
	v6 =	vmul.f32 $1.000000000e+04, v6;
	v10 =	vmul.f32 $1.000000000e+04, v10  }
0x22: {  	v44 =	vshra.s32 v7, $0x1;
	v5 =	vadd.f32 v5, v11;
	v23 =	vshra.s32 v19, $0x1  }
0x23: {  	v40 =	vpop (erf);
	v24 =	vld [tilespmem:s0+$0x1BCA0];
	v46 =	vshra.s32 v12, $0x1;
	v49 =	vshra.s32 v8, $0x1;
	v42 =	vsub.f32 $1.000000000e+00, v14  }
0x24: {  	v43 =	vmul.f32 $1.000000000e+04, v20;
	v16 =	vshra.s32 v35, $0x1;
	v5 =	vmul.f32 v5, v40  }
0x25: {  	v50 =	vshra.s32 v9, $0x1;
	v21 =	vshll.u32 v21, $0x4;
	v17 =	vshll.u32 v36, $0x4  }
0x26: {  	v45 =	vadd.f32 $1.000000010e-10, v42;
	v13 =	vmul.f32 $1.000000000e+04, v38;
	v14 =	vsub.f32 $1.000000000e+00, v43;
	[tilespmem:s5+$0x1D0A0] =	vst v5  }
0x27: {  	v22 =	vshll.u32 v22, $0x4;
	v15 =	vshll.u32 v39, $0x4;
	v10 =	vsub.f32 $1.000000000e+00, v10;
	v23 =	vld.idx.msk [tilespmem:v23+s4+$0x0], $0xffff  }
0x28: {  	v48 =	vmul.f32 $1.000000000e+04, v24;
	v13 =	vsub.f32 $1.000000000e+00, v13;
	v20 =	vadd.f32 v14, v45  }
0x29: {  	v6 =	vsub.f32 $1.000000000e+00, v6;
	v1 =	vsub.f32 $1.000000000e+00, v1;
	v47 =	vxor.u32 $0xFFFFFFFF, v19;
	v16 =	vld.idx.msk [tilespmem:v16+s4+$0x0], $0xffff  }
0x2a: {  	v19 =	vsub.f32 $1.000000000e+00, v48;
	v5 =	vshll.u32 v47, $0x4;
	v12 =	vld.idx.msk [tilespmem:v46+s4+$0x0], $0xffff;
	v20 =	vadd.f32 v13, v20  }
0x2b: {  	v3 =	vsub.f32 $1.000000000e+00, v3;
	v25 =	vxor.u32 $0xFFFFFFFF, v35;
	v5 =	vand.u32 $0x10, v5  }
0x2c: {  	v51 =	vshll.u32 v25, $0x4;
	v9 =	vld.idx.msk [tilespmem:v50+s4+$0x0], $0xffff;
	v20 =	vadd.f32 v19, v20;
	v5 =	vshll.u32 v23, v5  }
0x2d: {  	v54 =	vand.u32 $0x10, v22;
	v52 =	vand.u32 $0x10, v51;
	v5 =	vand.u32 $0xFFFF0000, v5  }
0x2e: {  	v8 =	vld.idx.msk [tilespmem:v49+s4+$0x0], $0xffff;
	v20 =	vadd.f32 v10, v20;
	v53 =	vshll.u32 v16, v52;
	v5 =	vmul.f32 v5, v42  }
0x2f: {  	v55 =	vand.u32 $0x10, v15;
	v12 =	vshll.u32 v12, v54;
	v11 =	vand.u32 $0xFFFF0000, v53  }
0x30: {  	v7 =	vld.idx.msk [tilespmem:v44+s4+$0x0], $0xffff;
	v20 =	vadd.f32 v6, v20;
	v11 =	vmul.f32 v11, v14;
	v5 =	vadd.f32 $0.0e+00, v5  }
0x31: {  	v58 =	vand.u32 $0x10, v21;
	v9 =	vshll.u32 v9, v55;
	v12 =	vand.u32 $0xFFFF0000, v12  }
0x32: {  	v57 =	vmul.f32 v12, v13;
	v56 =	vadd.f32 v3, v20;
	v5 =	vadd.f32 v11, v5  }
0x33: {  	v60 =	vand.u32 $0x10, v17;
	v4 =	vld.idx.msk [tilespmem:v41+s4+$0x0], $0xffff;
	v8 =	vshll.u32 v8, v58;
	v9 =	vand.u32 $0xFFFF0000, v9  }
0x34: {  	v9 =	vmul.f32 v9, v19;
	v59 =	vadd.f32 v1, v56;
	v5 =	vadd.f32 v57, v5  }
0x35: {  	v18 =	vshll.u32 v37, $0x4;
	v2 =	vld.idx.msk [tilespmem:v2+s4+$0x0], $0xffff;
	v7 =	vshll.u32 v7, v60;
	v8 =	vand.u32 $0xFFFF0000, v8  }
0x36: {  	v8 =	vmul.f32 v8, v10;
	(erf) = vrcp.f32 v59;
	v5 =	vadd.f32 v9, v5  }
0x37: {  	v0 =	vshll.u32 v0, $0x4;
	v61 =	vand.u32 $0x10, v18;
	v7 =	vand.u32 $0xFFFF0000, v7  }
0x38: {  	v4 =	vshll.u32 v4, v61;
	v6 =	vmul.f32 v7, v6;
	v5 =	vadd.f32 v8, v5  }
0x39: {  	v0 =	vand.u32 $0x10, v0;
	v4 =	vand.u32 $0xFFFF0000, v4  }
0x3a: {  	v0 =	vshll.u32 v2, v0;
	v3 =	vmul.f32 v4, v3;
	v5 =	vadd.f32 v6, v5  }
0x3b: {  	v0 =	vand.u32 $0xFFFF0000, v0  }
0x3c: {  	v0 =	vmul.f32 v0, v1;
	v62 =	vadd.f32 v3, v5;
	_ =	sdelay $0x1  }
0x3d: {  	v0 =	vadd.f32 v0, v62  }
0x3e: {  	v63 =	vpop (erf)  }
0x3f: {  	v0 =	vmul.f32 v0, v63  }
0x40: {  	s30 =	sshll.u32 s30, $0x6  }
0x41: {  	s31 =	sadd.s32 s6, s30;
	[tilespmem:s0+$0x1D0A0] =	vst v0  }
0x42: {  	[hbm4b:s31+s4] =	stream.linear.scatter [tilespmem:s25], [sflag:$0x5], $0x200, $0x38;
	[tilespmem:$0x1D2A0] =	vst v63  }
0x43: {  	_ =	swait.ge [sflag:s13], $0x200  }
0x44: {  	[sflag:s13] =	ssyncset.done $0x0  }
0x45: {  	[sflag:s13] =	ssyncadd.s32 $0xFFFFFE00  }
.LBB2_16:
0x46: {  	s29 =	sadd.s32 $0x1, s29  }
0x47: {  	p1 =	sne.s32 s29, $0x20  }
.Ltmp3:
0x48: {  	_ = 	snop;
	(pc) =	sbr.rel @!p1 .LBB2_17-.Ltmp3, $1  }
0x49: {  	_ =	sdelay $0x3  }
.LBB2_2:
0x4a: {  	s31 =	sshll.u32 s29, $0x1  }
0x4b: {  	s0 =	sor.u32 s31, s7  }
0x4c: {  	s30 =	sor.u32 $0x1, s0  }
0x4d: {  	s5 =	sshll.u32 s30, $0x9  }
0x4e: {  	s15 =	simm.s32 $0x0;
	s14 =	sadd.s32 s1, s5  }
0x4f: {  	[tilespmem:s16], [sflag:$0x2] =	stream.linear.gather [hbm4b:s14+s15], $0x1000, $0x38;
	[tilespmem:$0x1D2A0] =	vst v63  }
0x50: {  	s5 =	sadd.s32 s2, s5  }
0x51: {  	[tilespmem:s17], [sflag:$0x4] =	stream.linear.gather [hbm4b:s5+s15], $0x1000, $0x38;
	[tilespmem:$0x1D2A0] =	vst v63  }
0x52: {  	_ =	swait.ge [sflag:s18], $0x1000  }
.Ltmp4:
0x53: {  	[sflag:s18] =	ssyncset.done $0x0;
	(pc) =	sbr.rel @p0 .LBB2_6-.Ltmp4, $4  }
0x54: {  	[sflag:s18] =	ssyncadd.s32 $0xFFFFF000  }
0x55: {  	_ =	swait.ge [sflag:s19], $0x1000  }
0x56: {  	[sflag:s19] =	ssyncset.done $0x0  }
0x57: {  	s14 =	simm.s32 $0x0;
	[sflag:s19] =	ssyncadd.s32 $0xFFFFF000  }
0x58: {  	v0 =	vld [tilespmem:s14+$0x1A6A0]  }
0x59: {  	v1 =	vld [tilespmem:s14+$0x1A8A0]  }
0x5a: {  	v2 =	vld [tilespmem:s14+$0x192A0]  }
0x5b: {  	v3 =	vld [tilespmem:s14+$0x1B4A0]  }
0x5c: {  	v4 =	vld [tilespmem:s14+$0x1AAA0]  }
0x5d: {  	v5 =	vld [tilespmem:s14+$0x1B0A0];
	v0 =	vmul.f32 $1.000000000e+04, v0  }
0x5e: {  	v6 =	vld [tilespmem:s14+$0x1ACA0]  }
0x5f: {  	v7 =	vld [tilespmem:s14+$0x186A0];
	v1 =	vmul.f32 $1.000000000e+04, v1;
	v8 =	vsub.f32 $1.000000000e+00, v0  }
0x60: {  	v0 =	vld [tilespmem:s14+$0x1AEA0]  }
0x61: {  	v9 =	vld [tilespmem:s14+$0x18AA0];
	v4 =	vmul.f32 $1.000000000e+04, v4;
	v1 =	vsub.f32 $1.000000000e+00, v1;
	v10 =	vadd.f32 $1.000000010e-10, v8  }
0x62: {  	v11 =	vld [tilespmem:s14+$0x188A0]  }
0x63: {  	v12 =	vld [tilespmem:s14+$0x18CA0];
	v6 =	vmul.f32 $1.000000000e+04, v6;
	v13 =	vsub.f32 $1.000000000e+00, v4;
	v10 =	vadd.f32 v1, v10  }
0x64: {  	s5 =	simm.s32 $0x10;
	v4 =	vld [tilespmem:s14+$0x1B2A0]  }
0x65: {  	v15 =	vld [tilespmem:s5+$0x1A8A0];
	v6 =	vsub.f32 $1.000000000e+00, v6;
	v0 =	vmul.f32 $1.000000000e+04, v0;
	v10 =	vadd.f32 v13, v10  }
0x66: {  	v16 =	vld [tilespmem:s5+$0x1A6A0]  }
0x67: {  	v18 =	vld.idx.msk [tilespmem:v7+s4+$0x0], $0xffff;
	v17 =	vsub.f32 $1.000000000e+00, v0;
	v0 =	vmul.f32 $1.000000000e+04, v5;
	v10 =	vadd.f32 v6, v10  }
0x68: {  	v14 =	vld [tilespmem:s14+$0x18EA0]  }
0x69: {  	v19 =	vld [tilespmem:s14+$0x190A0];
	v20 =	vsub.f32 $1.000000000e+00, v0;
	v0 =	vmul.f32 $1.000000000e+04, v4;
	v5 =	vadd.f32 v17, v10  }
0x6a: {  	v10 =	vld.idx.msk [tilespmem:v11+s4+$0x0], $0xffff  }
0x6b: {  	v3 =	vmul.f32 $1.000000000e+04, v3;
	v11 =	vld [tilespmem:s14+$0x194A0];
	v7 =	vsub.f32 $1.000000000e+00, v0;
	v21 =	vadd.f32 v20, v5  }
0x6c: {  	v9 =	vld.idx.msk [tilespmem:v9+s4+$0x0], $0xffff;
	v4 =	vmul.f32 $1.000000000e+04, v15;
	v15 =	vshll.u32 v18, $0x10;
	v0 =	vmul.f32 $1.000000000e+04, v16  }
0x6d: {  	v5 =	vsub.f32 $1.000000000e+00, v3;
	v3 =	vand.u32 $0xFFFF0000, v18;
	v16 =	vadd.f32 v7, v21  }
0x6e: {  	v12 =	vld.idx.msk [tilespmem:v12+s4+$0x0], $0xffff;
	v0 =	vsub.f32 $1.000000000e+00, v0;
	v3 =	vmul.f32 v3, v8;
	v8 =	vmul.f32 v15, v8  }
0x6f: {  	v15 =	vand.u32 $0xFFFF0000, v10;
	v10 =	vshll.u32 v10, $0x10;
	v16 =	vadd.f32 v5, v16  }
0x70: {  	v14 =	vld.idx.msk [tilespmem:v14+s4+$0x0], $0xffff;
	v3 =	vadd.f32 $0.0e+00, v3;
	v8 =	vadd.f32 $0.0e+00, v8;
	v18 =	vmul.f32 v10, v1  }
0x71: {  	v19 =	vld.idx.msk [tilespmem:v19+s4+$0x0], $0xffff;
	v1 =	vmul.f32 v15, v1;
	v15 =	vshll.u32 v9, $0x10;
	(erf) = vrcp.f32 v16  }
0x72: {  	v10 =	vld.idx.msk [tilespmem:v2+s4+$0x0], $0xffff;
	v15 =	vmul.f32 v15, v13;
	v2 =	vadd.f32 v18, v8;
	v8 =	vand.u32 $0xFFFF0000, v9  }
0x73: {  	v9 =	vld.idx.msk [tilespmem:v11+s4+$0x0], $0xffff;
	v3 =	vadd.f32 v1, v3;
	v11 =	vshll.u32 v12, $0x10;
	v8 =	vmul.f32 v8, v13  }
0x74: {  	v1 =	vld [tilespmem:s5+$0x194A0];
	v12 =	vand.u32 $0xFFFF0000, v12;
	v11 =	vmul.f32 v11, v6;
	v13 =	vadd.f32 v15, v2  }
0x75: {  	v12 =	vmul.f32 v12, v6;
	v6 =	vld [tilespmem:s5+$0x1B4A0];
	v8 =	vadd.f32 v8, v3;
	v3 =	vshll.u32 v14, $0x10  }
0x76: {  	v2 =	vld [tilespmem:s5+$0x192A0];
	v11 =	vadd.f32 v11, v13;
	v13 =	vand.u32 $0xFFFF0000, v14;
	v14 =	vmul.f32 v3, v17  }
0x77: {  	v15 =	vshll.u32 v19, $0x10;
	v3 =	vld [tilespmem:s5+$0x190A0];
	v16 =	vadd.f32 v12, v8;
	v13 =	vmul.f32 v13, v17  }
0x78: {  	v15 =	vmul.f32 v15, v20;
	v8 =	vld [tilespmem:s5+$0x1B0A0];
	v12 =	vadd.f32 v14, v11;
	v14 =	vand.u32 $0xFFFF0000, v19  }
0x79: {  	s15 =	simm.s32 $0x80;
	v11 =	vld [tilespmem:s5+$0x1AAA0];
	v13 =	vadd.f32 v13, v16;
	v14 =	vmul.f32 v14, v20;
	v16 =	vshll.u32 v10, $0x10  }
.LBB2_4:
0x7a: {  	p1 =	sne.s32 s15, $0x7C0;
	v17 =	vld [tilespmem:s5+$0x1ACA0];
	v12 =	vadd.f32 v15, v12;
	v10 =	vand.u32 $0xFFFF0000, v10;
	v15 =	vmul.f32 v16, v7;
	v16 =	vpop (erf)  }
0x7b: {  	v18 =	vld [tilespmem:s5+$0x1AEA0];
	v13 =	vadd.f32 v14, v13;
	v7 =	vmul.f32 v10, v7;
	v10 =	vshll.u32 v9, $0x10  }
0x7c: {  	v9 =	vand.u32 $0xFFFF0000, v9;
	v14 =	vld [tilespmem:s5+$0x186A0];
	v12 =	vadd.f32 v15, v12;
	v10 =	vmul.f32 v10, v5  }
0x7d: {  	v15 =	vsub.f32 $1.000000000e+00, v4;
	v5 =	vmul.f32 v9, v5;
	v4 =	vld [tilespmem:s5+$0x18AA0];
	v7 =	vadd.f32 v7, v13  }
0x7e: {  	v9 =	vadd.f32 $1.000000010e-10, v0;
	v13 =	vld [tilespmem:s5+$0x188A0];
	v11 =	vmul.f32 $1.000000000e+04, v11;
	v10 =	vadd.f32 v10, v12  }
0x7f: {  	v12 =	vld [tilespmem:s5+$0x18CA0];
	v17 =	vmul.f32 $1.000000000e+04, v17;
	v5 =	vadd.f32 v5, v7  }
0x80: {  	v7 =	vadd.f32 v15, v9;
	v11 =	vsub.f32 $1.000000000e+00, v11;
	v9 =	vld [tilespmem:s5+$0x18EA0];
	v10 =	vmul.f32 v10, v16  }
0x81: {  	s8 =	sshra.s32 s15, $0x2;
	v19 =	vld [tilespmem:s5+$0x1B2A0];
	v5 =	vmul.f32 v5, v16  }
0x82: {  	v18 =	vmul.f32 $1.000000000e+04, v18;
	v17 =	vsub.f32 $1.000000000e+00, v17;
	v16 =	vld [tilespmem:s8+$0x1A8A0];
	v7 =	vadd.f32 v11, v7;
	[tilespmem:s14+$0x1C8A0] =	vst v10  }
0x83: {  	v10 =	vld [tilespmem:s8+$0x1A6A0];
	[tilespmem:s14+$0x1C6A0] =	vst v5;
	s14 =	smov.u32 s5;
	s5 =	smov.u32 s8  }
0x84: {  	v18 =	vsub.f32 $1.000000000e+00, v18;
	v14 =	vld.idx.msk [tilespmem:v14+s4+$0x0], $0xffff;
	v5 =	vadd.f32 v17, v7;
	v7 =	vmul.f32 $1.000000000e+04, v8  }
0x85: {  	v8 =	vld.idx.msk [tilespmem:v4+s4+$0x0], $0xffff  }
0x86: {  	v13 =	vld.idx.msk [tilespmem:v13+s4+$0x0], $0xffff;
	v4 =	vadd.f32 v18, v5;
	v20 =	vsub.f32 $1.000000000e+00, v7;
	v5 =	vmul.f32 $1.000000000e+04, v19  }
0x87: {  	v6 =	vmul.f32 $1.000000000e+04, v6;
	v12 =	vld.idx.msk [tilespmem:v12+s4+$0x0], $0xffff  }
0x88: {  	v19 =	vld.idx.msk [tilespmem:v9+s4+$0x0], $0xffff;
	v9 =	vadd.f32 v20, v4;
	v7 =	vsub.f32 $1.000000000e+00, v5  }
0x89: {  	v21 =	vmul.f32 $1.000000000e+04, v10;
	v4 =	vmul.f32 $1.000000000e+04, v16;
	v5 =	vsub.f32 $1.000000000e+00, v6;
	v16 =	vld.idx.msk [tilespmem:v3+s4+$0x0], $0xffff  }
0x8a: {  	v3 =	vand.u32 $0xFFFF0000, v14;
	v6 =	vshll.u32 v14, $0x10;
	v14 =	vadd.f32 v7, v9;
	v10 =	vld.idx.msk [tilespmem:v2+s4+$0x0], $0xffff  }
0x8b: {  	v2 =	vmul.f32 v3, v0;
	v3 =	vmul.f32 v6, v0;
	v0 =	vsub.f32 $1.000000000e+00, v21;
	v9 =	vld.idx.msk [tilespmem:v1+s4+$0x0], $0xffff  }
0x8c: {  	v1 =	vand.u32 $0xFFFF0000, v13;
	v6 =	vshll.u32 v13, $0x10;
	v13 =	vadd.f32 v5, v14  }
0x8d: {  	v2 =	vadd.f32 $0.0e+00, v2;
	v3 =	vadd.f32 $0.0e+00, v3;
	v6 =	vmul.f32 v6, v15  }
0x8e: {  	v1 =	vmul.f32 v1, v15;
	v14 =	vshll.u32 v8, $0x10;
	(erf) = vrcp.f32 v13  }
0x8f: {  	v3 =	vadd.f32 v6, v3;
	v6 =	vand.u32 $0xFFFF0000, v8;
	v8 =	vmul.f32 v14, v11  }
0x90: {  	v13 =	vadd.f32 v1, v2;
	v2 =	vshll.u32 v12, $0x10;
	v6 =	vmul.f32 v6, v11  }
0x91: {  	v11 =	vmul.f32 v2, v17;
	v3 =	vadd.f32 v8, v3;
	v8 =	vand.u32 $0xFFFF0000, v12;
	v1 =	vld [tilespmem:s5+$0x194A0]  }
.Ltmp5:
0x92: {  	v12 =	vadd.f32 v6, v13;
	v8 =	vmul.f32 v8, v17;
	v13 =	vshll.u32 v19, $0x10;
	v2 =	vld [tilespmem:s5+$0x192A0];
	(pc) =	sbr.rel @p1 .LBB2_4-.Ltmp5, $4  }
0x93: {  	v14 =	vand.u32 $0xFFFF0000, v19;
	v11 =	vadd.f32 v11, v3;
	v13 =	vmul.f32 v13, v18;
	v6 =	vld [tilespmem:s5+$0x1B4A0]  }
0x94: {  	v15 =	vshll.u32 v16, $0x10;
	v14 =	vmul.f32 v14, v18;
	v17 =	vadd.f32 v8, v12;
	v3 =	vld [tilespmem:s5+$0x190A0]  }
0x95: {  	v16 =	vand.u32 $0xFFFF0000, v16;
	v15 =	vmul.f32 v15, v20;
	v12 =	vadd.f32 v13, v11;
	v8 =	vld [tilespmem:s5+$0x1B0A0]  }
0x96: {  	s15 =	sadd.s32 $0x40, s15;
	v13 =	vadd.f32 v14, v17;
	v14 =	vmul.f32 v16, v20;
	v16 =	vshll.u32 v10, $0x10;
	v11 =	vld [tilespmem:s5+$0x1AAA0]  }
0x97: {  	v12 =	vadd.f32 v15, v12;
	v10 =	vand.u32 $0xFFFF0000, v10;
	v33 =	vmul.f32 v16, v7;
	v34 =	vld [tilespmem:s5+$0x1ACA0]  }
0x98: {  	v36 =	vld [tilespmem:s5+$0x1AEA0];
	v37 =	vshll.u32 v9, $0x10;
	v13 =	vadd.f32 v14, v13;
	v35 =	vmul.f32 v10, v7  }
0x99: {  	v38 =	vand.u32 $0xFFFF0000, v9;
	v39 =	vld [tilespmem:s5+$0x186A0];
	v14 =	vmul.f32 v37, v5;
	v12 =	vadd.f32 v33, v12  }
0x9a: {  	v4 =	vsub.f32 $1.000000000e+00, v4;
	v17 =	vld [tilespmem:s5+$0x188A0];
	v40 =	vmul.f32 v38, v5;
	v7 =	vadd.f32 v35, v13  }
0x9b: {  	v41 =	vld [tilespmem:s5+$0x18AA0];
	v42 =	vadd.f32 $1.000000010e-10, v0;
	v12 =	vadd.f32 v14, v12  }
0x9c: {  	v43 =	vpop (erf);
	v11 =	vmul.f32 $1.000000000e+04, v11;
	v5 =	vadd.f32 v40, v7  }
0x9d: {  	v44 =	vld [tilespmem:s5+$0x18CA0];
	v13 =	vadd.f32 v4, v42;
	v12 =	vmul.f32 v12, v43  }
0x9e: {  	v18 =	vld [tilespmem:s5+$0x1B2A0];
	v16 =	vmul.f32 $1.000000000e+04, v34;
	v11 =	vsub.f32 $1.000000000e+00, v11;
	v5 =	vmul.f32 v5, v43  }
0x9f: {  	v45 =	vld [tilespmem:s5+$0x18EA0];
	[tilespmem:s14+$0x1C8A0] =	vst v12  }
0xa0: {  	v10 =	vmul.f32 $1.000000000e+04, v36;
	v16 =	vsub.f32 $1.000000000e+00, v16;
	v13 =	vadd.f32 v11, v13;
	[tilespmem:s14+$0x1C6A0] =	vst v5  }
0xa1: {  	v12 =	vld.idx.msk [tilespmem:v39+s4+$0x0], $0xffff  }
0xa2: {  	v8 =	vmul.f32 $1.000000000e+04, v8;
	v10 =	vsub.f32 $1.000000000e+00, v10;
	v46 =	vadd.f32 v16, v13;
	v48 =	vld.idx.msk [tilespmem:v17+s4+$0x0], $0xffff  }
0xa3: {  	v6 =	vmul.f32 $1.000000000e+04, v6;
	v47 =	vmul.f32 $1.000000000e+04, v18;
	v9 =	vld.idx.msk [tilespmem:v41+s4+$0x0], $0xffff  }
0xa4: {  	v8 =	vsub.f32 $1.000000000e+00, v8;
	v5 =	vadd.f32 v10, v46  }
0xa5: {  	v6 =	vsub.f32 $1.000000000e+00, v6;
	v13 =	vsub.f32 $1.000000000e+00, v47  }
0xa6: {  	v14 =	vld.idx.msk [tilespmem:v44+s4+$0x0], $0xffff;
	v5 =	vadd.f32 v8, v5;
	v49 =	vand.u32 $0xFFFF0000, v12;
	v12 =	vshll.u32 v12, $0x10  }
0xa7: {  	v51 =	vand.u32 $0xFFFF0000, v48;
	v15 =	vshll.u32 v48, $0x10;
	v50 =	vmul.f32 v12, v0  }
0xa8: {  	v52 =	vshll.u32 v9, $0x10;
	v5 =	vadd.f32 v13, v5;
	v17 =	vmul.f32 v49, v0  }
0xa9: {  	v7 =	vld.idx.msk [tilespmem:v45+s4+$0x0], $0xffff;
	v53 =	vand.u32 $0xFFFF0000, v9;
	v15 =	vmul.f32 v15, v4;
	v0 =	vadd.f32 $0.0e+00, v50  }
0xaa: {  	v4 =	vmul.f32 v51, v4;
	v5 =	vadd.f32 v6, v5;
	v17 =	vadd.f32 $0.0e+00, v17  }
0xab: {  	v3 =	vld.idx.msk [tilespmem:v3+s4+$0x0], $0xffff;
	v55 =	vshll.u32 v14, $0x10;
	v54 =	vmul.f32 v52, v11;
	v0 =	vadd.f32 v15, v0  }
0xac: {  	(erf) = vrcp.f32 v5;
	v4 =	vadd.f32 v4, v17;
	v5 =	vmul.f32 v53, v11  }
0xad: {  	v2 =	vld.idx.msk [tilespmem:v2+s4+$0x0], $0xffff;
	v56 =	vand.u32 $0xFFFF0000, v14;
	v11 =	vmul.f32 v55, v16;
	v0 =	vadd.f32 v54, v0  }
0xae: {  	v58 =	vshll.u32 v7, $0x10;
	v57 =	vmul.f32 v56, v16;
	v4 =	vadd.f32 v5, v4  }
0xaf: {  	v1 =	vld.idx.msk [tilespmem:v1+s4+$0x0], $0xffff;
	v7 =	vand.u32 $0xFFFF0000, v7;
	v9 =	vmul.f32 v58, v10;
	v0 =	vadd.f32 v11, v0  }
0xb0: {  	v60 =	vshll.u32 v3, $0x10;
	v59 =	vmul.f32 v7, v10;
	v4 =	vadd.f32 v57, v4  }
0xb1: {  	v3 =	vand.u32 $0xFFFF0000, v3;
	v7 =	vmul.f32 v60, v8;
	v0 =	vadd.f32 v9, v0  }
0xb2: {  	v61 =	vshll.u32 v2, $0x10;
	v3 =	vmul.f32 v3, v8;
	v4 =	vadd.f32 v59, v4  }
0xb3: {  	v2 =	vand.u32 $0xFFFF0000, v2;
	v5 =	vmul.f32 v61, v13;
	v0 =	vadd.f32 v7, v0  }
0xb4: {  	v62 =	vshll.u32 v1, $0x10;
	v2 =	vmul.f32 v2, v13;
	v3 =	vadd.f32 v3, v4  }
0xb5: {  	v1 =	vand.u32 $0xFFFF0000, v1;
	v4 =	vmul.f32 v62, v6;
	v0 =	vadd.f32 v5, v0  }
0xb6: {  	v1 =	vmul.f32 v1, v6;
	v2 =	vadd.f32 v2, v3  }
0xb7: {  	v0 =	vadd.f32 v4, v0  }
0xb8: {  	v63 =	vpop (erf);
	v1 =	vadd.f32 v1, v2  }
0xb9: {  	v0 =	vmul.f32 v0, v63  }
0xba: {  	v1 =	vmul.f32 v1, v63  }
0xbb: {  	s0 =	sshll.u32 s0, $0x7;
	[tilespmem:s5+$0x1C8A0] =	vst v0  }
.Ltmp6:
0xbc: {  	s0 =	sadd.s32 s3, s0;
	[tilespmem:s5+$0x1C6A0] =	vst v1;
	(pc) =	sbr.rel .LBB2_9-.Ltmp6, $4  }
0xbd: {  	[hbm4b:s0+s4] =	stream.linear.scatter [tilespmem:s20], [sflag:$0x6], $0x400, $0x38;
	[tilespmem:$0x1D2A0] =	vst v63  }
0xbe: {  	_ =	swait.ge [sflag:s21], $0x400  }
0xbf: {  	[sflag:s21] =	ssyncset.done $0x0  }
0xc0: {  	[sflag:s21] =	ssyncadd.s32 $0xFFFFFC00  }
.LBB2_6:
0xc1: {  	v0 =	vld [tilespmem:s14+$0x1B4A0]  }
0xc2: {  	v1 =	vld [tilespmem:s14+$0x194A0]  }
0xc3: {  	v2 =	vld [tilespmem:s14+$0x1B2A0]  }
0xc4: {  	v3 =	vld [tilespmem:s14+$0x192A0]  }
0xc5: {  	v4 =	vld [tilespmem:s14+$0x1B0A0]  }
0xc6: {  	v5 =	vld [tilespmem:s14+$0x190A0]  }
0xc7: {  	v6 =	vld [tilespmem:s14+$0x1AEA0]  }
0xc8: {  	v7 =	vld [tilespmem:s14+$0x18EA0]  }
0xc9: {  	v8 =	vld [tilespmem:s14+$0x18CA0]  }
0xca: {  	v9 =	vld [tilespmem:s14+$0x18AA0]  }
0xcb: {  	v10 =	vld [tilespmem:s14+$0x1A6A0]  }
0xcc: {  	v11 =	vld [tilespmem:s14+$0x186A0]  }
0xcd: {  	v12 =	vld [tilespmem:s14+$0x188A0]  }
0xce: {  	v15 =	vld [tilespmem:s14+$0x1A8A0];
	v14 =	vxor.u32 $0xFFFFFFFF, v1;
	v13 =	vxor.u32 $0xFFFFFFFF, v5;
	v16 =	vxor.u32 $0xFFFFFFFF, v3  }
0xcf: {  	v18 =	vld [tilespmem:s14+$0x1AAA0];
	v17 =	vxor.u32 $0xFFFFFFFF, v7;
	v19 =	vxor.u32 $0xFFFFFFFF, v8;
	v0 =	vmul.f32 $1.000000000e+04, v0  }
0xd0: {  	v20 =	vshra.s32 v1, $0x1;
	v21 =	vxor.u32 $0xFFFFFFFF, v9;
	v22 =	vmul.f32 $1.000000000e+04, v2  }
0xd1: {  	v1 =	vmul.f32 $1.000000000e+04, v10;
	v2 =	vshra.s32 v11, $0x1;
	v23 =	vshra.s32 v3, $0x1  }
0xd2: {  	v10 =	vld [tilespmem:s14+$0x1ACA0];
	v3 =	vxor.u32 $0xFFFFFFFF, v12;
	v4 =	vmul.f32 $1.000000000e+04, v4;
	v12 =	vshra.s32 v12, $0x1  }
0xd3: {  	v6 =	vmul.f32 $1.000000000e+04, v6;
	v24 =	vsub.f32 $1.000000000e+00, v1;
	v1 =	vmul.f32 $1.000000000e+04, v15  }
0xd4: {  	v9 =	vshra.s32 v9, $0x1;
	v11 =	vxor.u32 $0xFFFFFFFF, v11;
	v15 =	vmul.f32 $1.000000000e+04, v18  }
0xd5: {  	v18 =	vshra.s32 v5, $0x1;
	v5 =	vadd.f32 $1.000000010e-10, v24;
	v25 =	vsub.f32 $1.000000000e+00, v1  }
0xd6: {  	v7 =	vshra.s32 v7, $0x1;
	v16 =	vshll.u32 v16, $0x4;
	v19 =	vshll.u32 v19, $0x4  }
0xd7: {  	v15 =	vsub.f32 $1.000000000e+00, v15;
	v10 =	vmul.f32 $1.000000000e+04, v10;
	v26 =	vld.idx.msk [tilespmem:v2+s4+$0x0], $0xffff;
	v2 =	vadd.f32 v25, v5  }
0xd8: {  	s5 =	simm.s32 $0x10;
	v11 =	vshll.u32 v11, $0x4;
	v5 =	vshra.s32 v8, $0x1;
	v8 =	vld.idx.msk [tilespmem:v12+s4+$0x0], $0xffff;
	v12 =	vshll.u32 v17, $0x4  }
0xd9: {  	v1 =	vld [tilespmem:s5+$0x1B4A0];
	v17 =	vshll.u32 v13, $0x4;
	v10 =	vsub.f32 $1.000000000e+00, v10;
	v13 =	vadd.f32 v15, v2  }
0xda: {  	v27 =	vshll.u32 v3, $0x4;
	v21 =	vshll.u32 v21, $0x4;
	v28 =	vsub.f32 $1.000000000e+00, v6;
	v9 =	vld.idx.msk [tilespmem:v9+s4+$0x0], $0xffff  }
0xdb: {  	v3 =	vand.u32 $0x10, v11;
	v61 =	vsub.f32 $1.000000000e+00, v4;
	v62 =	vld.idx.msk [tilespmem:v7+s4+$0x0], $0xffff;
	v11 =	vadd.f32 v10, v13  }
0xdc: {  	v4 =	vand.u32 $0x10, v27;
	v12 =	vand.u32 $0x10, v12;
	v2 =	vld [tilespmem:s5+$0x194A0];
	v6 =	vshll.u32 v26, v3  }
0xdd: {  	v13 =	vld.idx.msk [tilespmem:v5+s4+$0x0], $0xffff;
	v5 =	vsub.f32 $1.000000000e+00, v0;
	v0 =	vand.u32 $0xFFFF0000, v6;
	v6 =	vadd.f32 v28, v11  }
0xde: {  	v3 =	vld [tilespmem:s5+$0x1B2A0];
	v8 =	vshll.u32 v8, v4;
	v0 =	vmul.f32 v0, v24;
	v11 =	vsub.f32 $1.000000000e+00, v22  }
0xdf: {  	v4 =	vld [tilespmem:s5+$0x192A0];
	v7 =	vand.u32 $0xFFFF0000, v8;
	v8 =	vand.u32 $0x10, v21;
	v63 =	vadd.f32 v61, v6  }
0xe0: {  	v7 =	vmul.f32 v7, v25;
	v8 =	vshll.u32 v9, v8;
	v9 =	vld.idx.msk [tilespmem:v18+s4+$0x0], $0xffff;
	v0 =	vadd.f32 $0.0e+00, v0  }
0xe1: {  	v18 =	vand.u32 $0x10, v19;
	v6 =	vld [tilespmem:s5+$0x1B0A0];
	v8 =	vand.u32 $0xFFFF0000, v8;
	v19 =	vadd.f32 v11, v63  }
0xe2: {  	v8 =	vmul.f32 v8, v15;
	v0 =	vadd.f32 v7, v0;
	v13 =	vshll.u32 v13, v18;
	v18 =	vld.idx.msk [tilespmem:v23+s4+$0x0], $0xffff  }
0xe3: {  	v17 =	vand.u32 $0x10, v17;
	v7 =	vld [tilespmem:s5+$0x190A0];
	v13 =	vand.u32 $0xFFFF0000, v13;
	v15 =	vadd.f32 v5, v19  }
0xe4: {  	v0 =	vadd.f32 v8, v0;
	v19 =	vmul.f32 v13, v10;
	v8 =	vshll.u32 v62, v12;
	v13 =	vld.idx.msk [tilespmem:v20+s4+$0x0], $0xffff  }
0xe5: {  	v10 =	vld [tilespmem:s5+$0x1AEA0];
	v20 =	vshll.u32 v14, $0x4;
	v12 =	vand.u32 $0xFFFF0000, v8;
	(erf) = vrcp.f32 v15  }
0xe6: {  	v14 =	vld [tilespmem:s5+$0x1A6A0];
	v0 =	vadd.f32 v19, v0;
	v15 =	vmul.f32 v12, v28;
	v12 =	vshll.u32 v9, v17  }
0xe7: {  	v8 =	vld [tilespmem:s5+$0x18EA0];
	v19 =	vand.u32 $0x10, v16;
	v17 =	vand.u32 $0xFFFF0000, v12  }
0xe8: {  	v9 =	vld [tilespmem:s5+$0x18CA0];
	v15 =	vadd.f32 v15, v0;
	v16 =	vmul.f32 v17, v61;
	v17 =	vshll.u32 v18, v19  }
0xe9: {  	s15 =	simm.s32 $0x80;
	v12 =	vld [tilespmem:s5+$0x18AA0];
	v0 =	vxor.u32 $0xFFFFFFFF, v2;
	v18 =	vand.u32 $0x10, v20;
	v17 =	vand.u32 $0xFFFF0000, v17  }
.LBB2_7:
0xea: {  	p1 =	sne.s32 s15, $0x7C0;
	v19 =	vld [tilespmem:s5+$0x186A0];
	v15 =	vadd.f32 v16, v15;
	v11 =	vmul.f32 v17, v11;
	v13 =	vshll.u32 v13, v18  }
0xeb: {  	v17 =	vxor.u32 $0xFFFFFFFF, v7;
	v18 =	vxor.u32 $0xFFFFFFFF, v4;
	v16 =	vld [tilespmem:s5+$0x188A0];
	v13 =	vand.u32 $0xFFFF0000, v13  }
0xec: {  	v21 =	vxor.u32 $0xFFFFFFFF, v8;
	v20 =	vld [tilespmem:s5+$0x1A8A0];
	v11 =	vadd.f32 v11, v15;
	v5 =	vmul.f32 v13, v5  }
0xed: {  	v22 =	vmul.f32 $1.000000000e+04, v1;
	v23 =	vshra.s32 v2, $0x1;
	v15 =	vxor.u32 $0xFFFFFFFF, v9;
	v13 =	vld [tilespmem:s5+$0x1AAA0]  }
0xee: {  	v24 =	vmul.f32 $1.000000000e+04, v3;
	v2 =	vxor.u32 $0xFFFFFFFF, v12;
	v1 =	vadd.f32 v5, v11;
	v3 =	vpop (erf)  }
0xef: {  	v25 =	vshra.s32 v4, $0x1;
	v5 =	vmul.f32 $1.000000000e+04, v14;
	v11 =	vshra.s32 v19, $0x1;
	v14 =	vld [tilespmem:s5+$0x1ACA0]  }
0xf0: {  	v6 =	vmul.f32 $1.000000000e+04, v6;
	v4 =	vxor.u32 $0xFFFFFFFF, v16;
	v1 =	vmul.f32 v1, v3  }
0xf1: {  	v26 =	vsub.f32 $1.000000000e+00, v5;
	v5 =	vshra.s32 v16, $0x1;
	v3 =	vmul.f32 $1.000000000e+04, v20  }
0xf2: {  	v10 =	vmul.f32 $1.000000000e+04, v10;
	v7 =	vshra.s32 v7, $0x1;
	v13 =	vmul.f32 $1.000000000e+04, v13;
	[tilespmem:s14+$0x1CEA0] =	vst v1;
	s14 =	smov.u32 s5  }
0xf3: {  	v1 =	vadd.f32 $1.000000010e-10, v26;
	v16 =	vsub.f32 $1.000000000e+00, v3;
	v3 =	vshra.s32 v12, $0x1  }
0xf4: {  	v8 =	vshra.s32 v8, $0x1;
	v12 =	vxor.u32 $0xFFFFFFFF, v19;
	v11 =	vld.idx.msk [tilespmem:v11+s4+$0x0], $0xffff;
	v14 =	vmul.f32 $1.000000000e+04, v14  }
0xf5: {  	v9 =	vshra.s32 v9, $0x1;
	v13 =	vsub.f32 $1.000000000e+00, v13;
	v19 =	vadd.f32 v16, v1  }
0xf6: {  	v17 =	vshll.u32 v17, $0x4;
	v18 =	vshll.u32 v18, $0x4;
	v21 =	vshll.u32 v21, $0x4;
	s5 =	sshra.s32 s15, $0x2;
	v20 =	vld.idx.msk [tilespmem:v5+s4+$0x0], $0xffff  }
0xf7: {  	v15 =	vshll.u32 v15, $0x4;
	v14 =	vsub.f32 $1.000000000e+00, v14;
	v1 =	vld [tilespmem:s5+$0x1B4A0];
	v5 =	vadd.f32 v13, v19  }
0xf8: {  	v27 =	vshll.u32 v2, $0x4;
	v4 =	vshll.u32 v4, $0x4;
	v12 =	vshll.u32 v12, $0x4;
	v19 =	vld.idx.msk [tilespmem:v3+s4+$0x0], $0xffff  }
0xf9: {  	v28 =	vsub.f32 $1.000000000e+00, v10;
	v3 =	vand.u32 $0x10, v12;
	v2 =	vld [tilespmem:s5+$0x194A0];
	v12 =	vadd.f32 v14, v5  }
0xfa: {  	v29 =	vsub.f32 $1.000000000e+00, v6;
	v10 =	vshll.u32 v11, v3;
	v5 =	vsub.f32 $1.000000000e+00, v22;
	v9 =	vld.idx.msk [tilespmem:v9+s4+$0x0], $0xffff  }
0xfb: {  	v4 =	vand.u32 $0x10, v4;
	v6 =	vand.u32 $0xFFFF0000, v10;
	v3 =	vld [tilespmem:s5+$0x1B2A0];
	v10 =	vadd.f32 v28, v12  }
0xfc: {  	v11 =	vsub.f32 $1.000000000e+00, v24;
	v6 =	vmul.f32 v6, v26;
	v12 =	vshll.u32 v20, v4;
	v8 =	vld.idx.msk [tilespmem:v8+s4+$0x0], $0xffff  }
0xfd: {  	v20 =	vand.u32 $0x10, v27;
	v12 =	vand.u32 $0xFFFF0000, v12;
	v4 =	vld [tilespmem:s5+$0x192A0];
	v10 =	vadd.f32 v29, v10  }
0xfe: {  	v22 =	vadd.f32 $0.0e+00, v6;
	v12 =	vmul.f32 v12, v16;
	v16 =	vshll.u32 v19, v20;
	v19 =	vld.idx.msk [tilespmem:v7+s4+$0x0], $0xffff  }
0xff: {  	v15 =	vand.u32 $0x10, v15;
	v7 =	vand.u32 $0xFFFF0000, v16;
	v6 =	vld [tilespmem:s5+$0x1B0A0];
	v10 =	vadd.f32 v11, v10  }
0x100: {  	v12 =	vadd.f32 v12, v22;
	v13 =	vmul.f32 v7, v13;
	v9 =	vshll.u32 v9, v15;
	v20 =	vld.idx.msk [tilespmem:v25+s4+$0x0], $0xffff  }
0x101: {  	v15 =	vand.u32 $0x10, v21;
	v9 =	vand.u32 $0xFFFF0000, v9;
	v7 =	vld [tilespmem:s5+$0x190A0];
	v16 =	vadd.f32 v5, v10  }
0x102: {  	v12 =	vadd.f32 v13, v12;
	v9 =	vmul.f32 v9, v14;
	v8 =	vshll.u32 v8, v15;
	v13 =	vld.idx.msk [tilespmem:v23+s4+$0x0], $0xffff  }
.Ltmp7:
0x103: {  	v15 =	vand.u32 $0x10, v17;
	v14 =	vand.u32 $0xFFFF0000, v8;
	v10 =	vld [tilespmem:s5+$0x1AEA0];
	(erf) = vrcp.f32 v16;
	(pc) =	sbr.rel @p1 .LBB2_7-.Ltmp7, $4  }
0x104: {  	v16 =	vadd.f32 v9, v12;
	v14 =	vmul.f32 v14, v28;
	v12 =	vshll.u32 v19, v15;
	v8 =	vld [tilespmem:s5+$0x18EA0]  }
0x105: {  	v18 =	vand.u32 $0x10, v18;
	v19 =	vshll.u32 v0, $0x4;
	v17 =	vand.u32 $0xFFFF0000, v12;
	v9 =	vld [tilespmem:s5+$0x18CA0]  }
0x106: {  	v15 =	vadd.f32 v14, v16;
	v16 =	vmul.f32 v17, v29;
	v17 =	vshll.u32 v20, v18;
	v12 =	vld [tilespmem:s5+$0x18AA0]  }
0x107: {  	s15 =	sadd.s32 $0x40, s15;
	v0 =	vxor.u32 $0xFFFFFFFF, v2;
	v18 =	vand.u32 $0x10, v19;
	v17 =	vand.u32 $0xFFFF0000, v17;
	v14 =	vld [tilespmem:s5+$0x1A6A0]  }
0x108: {  	v15 =	vadd.f32 v16, v15;
	v11 =	vmul.f32 v17, v11;
	v13 =	vshll.u32 v13, v18  }
0x109: {  	v19 =	vld [tilespmem:s5+$0x186A0];
	v36 =	vxor.u32 $0xFFFFFFFF, v7;
	v37 =	vxor.u32 $0xFFFFFFFF, v4;
	v1 =	vmul.f32 $1.000000000e+04, v1  }
0x10a: {  	v20 =	vld [tilespmem:s5+$0x1A8A0];
	v2 =	vshra.s32 v2, $0x1;
	v3 =	vmul.f32 $1.000000000e+04, v3;
	v41 =	vshra.s32 v4, $0x1  }
0x10b: {  	v35 =	vld [tilespmem:s5+$0x188A0];
	v6 =	vmul.f32 $1.000000000e+04, v6;
	v10 =	vmul.f32 $1.000000000e+04, v10;
	v13 =	vand.u32 $0xFFFF0000, v13  }
0x10c: {  	v44 =	vshra.s32 v7, $0x1;
	v11 =	vadd.f32 v11, v15;
	v5 =	vmul.f32 v13, v5  }
0x10d: {  	v38 =	vld [tilespmem:s5+$0x1AAA0];
	v21 =	vxor.u32 $0xFFFFFFFF, v8;
	v49 =	vshra.s32 v8, $0x1;
	v17 =	vshll.u32 v36, $0x4  }
0x10e: {  	v5 =	vadd.f32 v5, v11;
	v14 =	vmul.f32 $1.000000000e+04, v14;
	v23 =	vshra.s32 v19, $0x1  }
0x10f: {  	v24 =	vld [tilespmem:s5+$0x1ACA0];
	v39 =	vxor.u32 $0xFFFFFFFF, v9;
	v50 =	vshra.s32 v9, $0x1;
	v40 =	vpop (erf);
	v43 =	vmul.f32 $1.000000000e+04, v20  }
0x110: {  	v16 =	vshra.s32 v35, $0x1;
	v5 =	vmul.f32 v5, v40;
	v42 =	vsub.f32 $1.000000000e+00, v14  }
0x111: {  	v10 =	vsub.f32 $1.000000000e+00, v10;
	v6 =	vsub.f32 $1.000000000e+00, v6;
	v46 =	vshra.s32 v12, $0x1  }
0x112: {  	v13 =	vmul.f32 $1.000000000e+04, v38;
	v14 =	vsub.f32 $1.000000000e+00, v43;
	v45 =	vadd.f32 $1.000000010e-10, v42;
	[tilespmem:s14+$0x1CEA0] =	vst v5  }
0x113: {  	v21 =	vshll.u32 v21, $0x4;
	v1 =	vsub.f32 $1.000000000e+00, v1;
	v3 =	vsub.f32 $1.000000000e+00, v3;
	v23 =	vld.idx.msk [tilespmem:v23+s4+$0x0], $0xffff  }
0x114: {  	v48 =	vmul.f32 $1.000000000e+04, v24;
	v13 =	vsub.f32 $1.000000000e+00, v13;
	v20 =	vadd.f32 v14, v45  }
0x115: {  	v22 =	vxor.u32 $0xFFFFFFFF, v12;
	v15 =	vshll.u32 v39, $0x4;
	v47 =	vxor.u32 $0xFFFFFFFF, v19;
	v16 =	vld.idx.msk [tilespmem:v16+s4+$0x0], $0xffff  }
0x116: {  	v19 =	vsub.f32 $1.000000000e+00, v48;
	v5 =	vshll.u32 v47, $0x4;
	v12 =	vld.idx.msk [tilespmem:v46+s4+$0x0], $0xffff;
	v20 =	vadd.f32 v13, v20  }
0x117: {  	v22 =	vshll.u32 v22, $0x4;
	v25 =	vxor.u32 $0xFFFFFFFF, v35;
	v5 =	vand.u32 $0x10, v5  }
0x118: {  	v51 =	vshll.u32 v25, $0x4;
	v9 =	vld.idx.msk [tilespmem:v50+s4+$0x0], $0xffff;
	v20 =	vadd.f32 v19, v20;
	v5 =	vshll.u32 v23, v5  }
0x119: {  	v54 =	vand.u32 $0x10, v22;
	v52 =	vand.u32 $0x10, v51;
	v5 =	vand.u32 $0xFFFF0000, v5  }
0x11a: {  	v8 =	vld.idx.msk [tilespmem:v49+s4+$0x0], $0xffff;
	v53 =	vshll.u32 v16, v52;
	v20 =	vadd.f32 v10, v20;
	v5 =	vmul.f32 v5, v42  }
0x11b: {  	v55 =	vand.u32 $0x10, v15;
	v12 =	vshll.u32 v12, v54;
	v11 =	vand.u32 $0xFFFF0000, v53  }
0x11c: {  	v7 =	vld.idx.msk [tilespmem:v44+s4+$0x0], $0xffff;
	v11 =	vmul.f32 v11, v14;
	v20 =	vadd.f32 v6, v20;
	v5 =	vadd.f32 $0.0e+00, v5  }
0x11d: {  	v58 =	vand.u32 $0x10, v21;
	v9 =	vshll.u32 v9, v55;
	v12 =	vand.u32 $0xFFFF0000, v12  }
0x11e: {  	v57 =	vmul.f32 v12, v13;
	v56 =	vadd.f32 v3, v20;
	v5 =	vadd.f32 v11, v5  }
0x11f: {  	v60 =	vand.u32 $0x10, v17;
	v4 =	vld.idx.msk [tilespmem:v41+s4+$0x0], $0xffff;
	v8 =	vshll.u32 v8, v58;
	v9 =	vand.u32 $0xFFFF0000, v9  }
0x120: {  	v9 =	vmul.f32 v9, v19;
	v59 =	vadd.f32 v1, v56;
	v5 =	vadd.f32 v57, v5  }
0x121: {  	v18 =	vshll.u32 v37, $0x4;
	v2 =	vld.idx.msk [tilespmem:v2+s4+$0x0], $0xffff;
	v7 =	vshll.u32 v7, v60;
	v8 =	vand.u32 $0xFFFF0000, v8  }
0x122: {  	v8 =	vmul.f32 v8, v10;
	(erf) = vrcp.f32 v59;
	v5 =	vadd.f32 v9, v5  }
0x123: {  	v0 =	vshll.u32 v0, $0x4;
	v61 =	vand.u32 $0x10, v18;
	v7 =	vand.u32 $0xFFFF0000, v7  }
0x124: {  	v4 =	vshll.u32 v4, v61;
	v6 =	vmul.f32 v7, v6;
	v5 =	vadd.f32 v8, v5  }
0x125: {  	v0 =	vand.u32 $0x10, v0;
	v4 =	vand.u32 $0xFFFF0000, v4  }
0x126: {  	v0 =	vshll.u32 v2, v0;
	v3 =	vmul.f32 v4, v3;
	v5 =	vadd.f32 v6, v5  }
0x127: {  	v0 =	vand.u32 $0xFFFF0000, v0  }
0x128: {  	v0 =	vmul.f32 v0, v1;
	v62 =	vadd.f32 v3, v5;
	_ =	sdelay $0x1  }
0x129: {  	v0 =	vadd.f32 v0, v62  }
0x12a: {  	v63 =	vpop (erf)  }
0x12b: {  	v0 =	vmul.f32 v0, v63  }
0x12c: {  	s0 =	sshll.u32 s0, $0x6  }
0x12d: {  	s0 =	sadd.s32 s6, s0;
	[tilespmem:s5+$0x1CEA0] =	vst v0  }
0x12e: {  	[hbm4b:s0+s4] =	stream.linear.scatter [tilespmem:s26], [sflag:$0x6], $0x200, $0x38;
	[tilespmem:$0x1D2A0] =	vst v63  }
0x12f: {  	_ =	swait.ge [sflag:s21], $0x200  }
0x130: {  	[sflag:s21] =	ssyncset.done $0x0  }
0x131: {  	[sflag:s21] =	ssyncadd.s32 $0xFFFFFE00  }
.LBB2_9:
0x132: {  	p1 =	seq.s32 s29, $0x1F  }
0x133: {  	s0 =	sadd.s32 @!p1 s31, s10  }
0x134: {  	s0 =	sshll.u32 @!p1 s0, $0x9  }
0x135: {  	s8 =	simm.s32 @!p1 $0x0;
	s14 =	simm.s32 @!p1 $0x186A0;
	s5 =	sadd.s32 @!p1 s1, s0  }
0x136: {  	[tilespmem:s14], [sflag:$0x1] =	stream.linear.gather @!p1 [hbm4b:s5+s8], $0x1000, $0x38;
	[tilespmem:$0x1D2A0] =	vst v63  }
0x137: {  	s0 =	sadd.s32 @!p1 s2, s0;
	s5 =	simm.s32 @!p1 $0x1A6A0  }
0x138: {  	[tilespmem:s5], [sflag:$0x3] =	stream.linear.gather @!p1 [hbm4b:s0+s8], $0x1000, $0x38;
	[tilespmem:$0x1D2A0] =	vst v63  }
0x139: {  	_ =	swait.ge [sflag:s22], $0x1000  }
.Ltmp8:
0x13a: {  	[sflag:s22] =	ssyncset.done $0x0;
	(pc) =	sbr.rel @p0 .LBB2_13-.Ltmp8, $4  }
0x13b: {  	[sflag:s22] =	ssyncadd.s32 $0xFFFFF000  }
0x13c: {  	_ =	swait.ge [sflag:s23], $0x1000  }
0x13d: {  	[sflag:s23] =	ssyncset.done $0x0  }
0x13e: {  	s5 =	simm.s32 $0x0;
	[sflag:s23] =	ssyncadd.s32 $0xFFFFF000  }
0x13f: {  	v0 =	vld [tilespmem:s5+$0x1B6A0]  }
0x140: {  	v1 =	vld [tilespmem:s5+$0x1B8A0]  }
0x141: {  	v2 =	vld [tilespmem:s5+$0x1A2A0]  }
0x142: {  	v3 =	vld [tilespmem:s5+$0x1C4A0]  }
0x143: {  	v4 =	vld [tilespmem:s5+$0x1BAA0]  }
0x144: {  	v5 =	vld [tilespmem:s5+$0x1C0A0];
	v0 =	vmul.f32 $1.000000000e+04, v0  }
0x145: {  	v6 =	vld [tilespmem:s5+$0x1BCA0]  }
0x146: {  	v7 =	vld [tilespmem:s5+$0x196A0];
	v1 =	vmul.f32 $1.000000000e+04, v1;
	v8 =	vsub.f32 $1.000000000e+00, v0  }
0x147: {  	v0 =	vld [tilespmem:s5+$0x1BEA0]  }
0x148: {  	v9 =	vld [tilespmem:s5+$0x19AA0];
	v4 =	vmul.f32 $1.000000000e+04, v4;
	v1 =	vsub.f32 $1.000000000e+00, v1;
	v10 =	vadd.f32 $1.000000010e-10, v8  }
0x149: {  	v11 =	vld [tilespmem:s5+$0x198A0]  }
0x14a: {  	v12 =	vld [tilespmem:s5+$0x19CA0];
	v6 =	vmul.f32 $1.000000000e+04, v6;
	v13 =	vsub.f32 $1.000000000e+00, v4;
	v10 =	vadd.f32 v1, v10  }
0x14b: {  	s0 =	simm.s32 $0x10;
	v4 =	vld [tilespmem:s5+$0x1C2A0]  }
0x14c: {  	v15 =	vld [tilespmem:s0+$0x1B8A0];
	v6 =	vsub.f32 $1.000000000e+00, v6;
	v0 =	vmul.f32 $1.000000000e+04, v0;
	v10 =	vadd.f32 v13, v10  }
0x14d: {  	v16 =	vld [tilespmem:s0+$0x1B6A0]  }
0x14e: {  	v18 =	vld.idx.msk [tilespmem:v7+s4+$0x0], $0xffff;
	v17 =	vsub.f32 $1.000000000e+00, v0;
	v0 =	vmul.f32 $1.000000000e+04, v5;
	v10 =	vadd.f32 v6, v10  }
0x14f: {  	v14 =	vld [tilespmem:s5+$0x19EA0]  }
0x150: {  	v19 =	vld [tilespmem:s5+$0x1A0A0];
	v20 =	vsub.f32 $1.000000000e+00, v0;
	v0 =	vmul.f32 $1.000000000e+04, v4;
	v5 =	vadd.f32 v17, v10  }
0x151: {  	v10 =	vld.idx.msk [tilespmem:v11+s4+$0x0], $0xffff  }
0x152: {  	v3 =	vmul.f32 $1.000000000e+04, v3;
	v11 =	vld [tilespmem:s5+$0x1A4A0];
	v7 =	vsub.f32 $1.000000000e+00, v0;
	v21 =	vadd.f32 v20, v5  }
0x153: {  	v9 =	vld.idx.msk [tilespmem:v9+s4+$0x0], $0xffff;
	v4 =	vmul.f32 $1.000000000e+04, v15;
	v15 =	vshll.u32 v18, $0x10;
	v0 =	vmul.f32 $1.000000000e+04, v16  }
0x154: {  	v5 =	vsub.f32 $1.000000000e+00, v3;
	v3 =	vand.u32 $0xFFFF0000, v18;
	v16 =	vadd.f32 v7, v21  }
0x155: {  	v12 =	vld.idx.msk [tilespmem:v12+s4+$0x0], $0xffff;
	v0 =	vsub.f32 $1.000000000e+00, v0;
	v3 =	vmul.f32 v3, v8;
	v8 =	vmul.f32 v15, v8  }
0x156: {  	v15 =	vand.u32 $0xFFFF0000, v10;
	v10 =	vshll.u32 v10, $0x10;
	v16 =	vadd.f32 v5, v16  }
0x157: {  	v14 =	vld.idx.msk [tilespmem:v14+s4+$0x0], $0xffff;
	v3 =	vadd.f32 $0.0e+00, v3;
	v8 =	vadd.f32 $0.0e+00, v8;
	v18 =	vmul.f32 v10, v1  }
0x158: {  	v19 =	vld.idx.msk [tilespmem:v19+s4+$0x0], $0xffff;
	v1 =	vmul.f32 v15, v1;
	v15 =	vshll.u32 v9, $0x10;
	(erf) = vrcp.f32 v16  }
0x159: {  	v10 =	vld.idx.msk [tilespmem:v2+s4+$0x0], $0xffff;
	v15 =	vmul.f32 v15, v13;
	v2 =	vadd.f32 v18, v8;
	v8 =	vand.u32 $0xFFFF0000, v9  }
0x15a: {  	v9 =	vld.idx.msk [tilespmem:v11+s4+$0x0], $0xffff;
	v3 =	vadd.f32 v1, v3;
	v11 =	vshll.u32 v12, $0x10;
	v8 =	vmul.f32 v8, v13  }
0x15b: {  	v1 =	vld [tilespmem:s0+$0x1A4A0];
	v12 =	vand.u32 $0xFFFF0000, v12;
	v11 =	vmul.f32 v11, v6;
	v13 =	vadd.f32 v15, v2  }
0x15c: {  	v12 =	vmul.f32 v12, v6;
	v6 =	vld [tilespmem:s0+$0x1C4A0];
	v8 =	vadd.f32 v8, v3;
	v3 =	vshll.u32 v14, $0x10  }
0x15d: {  	v2 =	vld [tilespmem:s0+$0x1A2A0];
	v11 =	vadd.f32 v11, v13;
	v13 =	vand.u32 $0xFFFF0000, v14;
	v14 =	vmul.f32 v3, v17  }
0x15e: {  	v15 =	vshll.u32 v19, $0x10;
	v3 =	vld [tilespmem:s0+$0x1A0A0];
	v16 =	vadd.f32 v12, v8;
	v13 =	vmul.f32 v13, v17  }
0x15f: {  	v15 =	vmul.f32 v15, v20;
	v8 =	vld [tilespmem:s0+$0x1C0A0];
	v12 =	vadd.f32 v14, v11;
	v14 =	vand.u32 $0xFFFF0000, v19  }
0x160: {  	s14 =	simm.s32 $0x80;
	v11 =	vld [tilespmem:s0+$0x1BAA0];
	v13 =	vadd.f32 v13, v16;
	v14 =	vmul.f32 v14, v20;
	v16 =	vshll.u32 v10, $0x10  }
.LBB2_11:
0x161: {  	p1 =	sne.s32 s14, $0x7C0;
	v17 =	vld [tilespmem:s0+$0x1BCA0];
	v12 =	vadd.f32 v15, v12;
	v10 =	vand.u32 $0xFFFF0000, v10;
	v15 =	vmul.f32 v16, v7;
	v16 =	vpop (erf)  }
0x162: {  	v18 =	vld [tilespmem:s0+$0x1BEA0];
	v13 =	vadd.f32 v14, v13;
	v7 =	vmul.f32 v10, v7;
	v10 =	vshll.u32 v9, $0x10  }
0x163: {  	v9 =	vand.u32 $0xFFFF0000, v9;
	v14 =	vld [tilespmem:s0+$0x196A0];
	v12 =	vadd.f32 v15, v12;
	v10 =	vmul.f32 v10, v5  }
0x164: {  	v15 =	vsub.f32 $1.000000000e+00, v4;
	v5 =	vmul.f32 v9, v5;
	v4 =	vld [tilespmem:s0+$0x19AA0];
	v7 =	vadd.f32 v7, v13  }
0x165: {  	v9 =	vadd.f32 $1.000000010e-10, v0;
	v13 =	vld [tilespmem:s0+$0x198A0];
	v11 =	vmul.f32 $1.000000000e+04, v11;
	v10 =	vadd.f32 v10, v12  }
0x166: {  	v12 =	vld [tilespmem:s0+$0x19CA0];
	v17 =	vmul.f32 $1.000000000e+04, v17;
	v5 =	vadd.f32 v5, v7  }
0x167: {  	v7 =	vadd.f32 v15, v9;
	v11 =	vsub.f32 $1.000000000e+00, v11;
	v9 =	vld [tilespmem:s0+$0x19EA0];
	v10 =	vmul.f32 v10, v16  }
0x168: {  	s8 =	sshra.s32 s14, $0x2;
	v19 =	vld [tilespmem:s0+$0x1C2A0];
	v5 =	vmul.f32 v5, v16  }
0x169: {  	v18 =	vmul.f32 $1.000000000e+04, v18;
	v17 =	vsub.f32 $1.000000000e+00, v17;
	v16 =	vld [tilespmem:s8+$0x1B8A0];
	v7 =	vadd.f32 v11, v7;
	[tilespmem:s5+$0x1CCA0] =	vst v10  }
0x16a: {  	v10 =	vld [tilespmem:s8+$0x1B6A0];
	[tilespmem:s5+$0x1CAA0] =	vst v5;
	s5 =	smov.u32 s0;
	s0 =	smov.u32 s8  }
0x16b: {  	v18 =	vsub.f32 $1.000000000e+00, v18;
	v14 =	vld.idx.msk [tilespmem:v14+s4+$0x0], $0xffff;
	v5 =	vadd.f32 v17, v7;
	v7 =	vmul.f32 $1.000000000e+04, v8  }
0x16c: {  	v8 =	vld.idx.msk [tilespmem:v4+s4+$0x0], $0xffff  }
0x16d: {  	v13 =	vld.idx.msk [tilespmem:v13+s4+$0x0], $0xffff;
	v4 =	vadd.f32 v18, v5;
	v20 =	vsub.f32 $1.000000000e+00, v7;
	v5 =	vmul.f32 $1.000000000e+04, v19  }
0x16e: {  	v6 =	vmul.f32 $1.000000000e+04, v6;
	v12 =	vld.idx.msk [tilespmem:v12+s4+$0x0], $0xffff  }
0x16f: {  	v19 =	vld.idx.msk [tilespmem:v9+s4+$0x0], $0xffff;
	v9 =	vadd.f32 v20, v4;
	v7 =	vsub.f32 $1.000000000e+00, v5  }
0x170: {  	v21 =	vmul.f32 $1.000000000e+04, v10;
	v4 =	vmul.f32 $1.000000000e+04, v16;
	v5 =	vsub.f32 $1.000000000e+00, v6;
	v16 =	vld.idx.msk [tilespmem:v3+s4+$0x0], $0xffff  }
0x171: {  	v3 =	vand.u32 $0xFFFF0000, v14;
	v6 =	vshll.u32 v14, $0x10;
	v14 =	vadd.f32 v7, v9;
	v10 =	vld.idx.msk [tilespmem:v2+s4+$0x0], $0xffff  }
0x172: {  	v2 =	vmul.f32 v3, v0;
	v3 =	vmul.f32 v6, v0;
	v0 =	vsub.f32 $1.000000000e+00, v21;
	v9 =	vld.idx.msk [tilespmem:v1+s4+$0x0], $0xffff  }
0x173: {  	v1 =	vand.u32 $0xFFFF0000, v13;
	v6 =	vshll.u32 v13, $0x10;
	v13 =	vadd.f32 v5, v14  }
0x174: {  	v2 =	vadd.f32 $0.0e+00, v2;
	v3 =	vadd.f32 $0.0e+00, v3;
	v6 =	vmul.f32 v6, v15  }
0x175: {  	v1 =	vmul.f32 v1, v15;
	v14 =	vshll.u32 v8, $0x10;
	(erf) = vrcp.f32 v13  }
0x176: {  	v3 =	vadd.f32 v6, v3;
	v6 =	vand.u32 $0xFFFF0000, v8;
	v8 =	vmul.f32 v14, v11  }
0x177: {  	v13 =	vadd.f32 v1, v2;
	v2 =	vshll.u32 v12, $0x10;
	v6 =	vmul.f32 v6, v11  }
0x178: {  	v11 =	vmul.f32 v2, v17;
	v3 =	vadd.f32 v8, v3;
	v8 =	vand.u32 $0xFFFF0000, v12;
	v1 =	vld [tilespmem:s0+$0x1A4A0]  }
.Ltmp9:
0x179: {  	v12 =	vadd.f32 v6, v13;
	v8 =	vmul.f32 v8, v17;
	v13 =	vshll.u32 v19, $0x10;
	v2 =	vld [tilespmem:s0+$0x1A2A0];
	(pc) =	sbr.rel @p1 .LBB2_11-.Ltmp9, $4  }
0x17a: {  	v14 =	vand.u32 $0xFFFF0000, v19;
	v11 =	vadd.f32 v11, v3;
	v13 =	vmul.f32 v13, v18;
	v6 =	vld [tilespmem:s0+$0x1C4A0]  }
0x17b: {  	v15 =	vshll.u32 v16, $0x10;
	v14 =	vmul.f32 v14, v18;
	v17 =	vadd.f32 v8, v12;
	v3 =	vld [tilespmem:s0+$0x1A0A0]  }
0x17c: {  	v16 =	vand.u32 $0xFFFF0000, v16;
	v15 =	vmul.f32 v15, v20;
	v12 =	vadd.f32 v13, v11;
	v8 =	vld [tilespmem:s0+$0x1C0A0]  }
0x17d: {  	s14 =	sadd.s32 $0x40, s14;
	v13 =	vadd.f32 v14, v17;
	v14 =	vmul.f32 v16, v20;
	v16 =	vshll.u32 v10, $0x10;
	v11 =	vld [tilespmem:s0+$0x1BAA0]  }
0x17e: {  	v12 =	vadd.f32 v15, v12;
	v10 =	vand.u32 $0xFFFF0000, v10;
	v33 =	vmul.f32 v16, v7;
	v34 =	vld [tilespmem:s0+$0x1BCA0]  }
0x17f: {  	v36 =	vld [tilespmem:s0+$0x1BEA0];
	v37 =	vshll.u32 v9, $0x10;
	v13 =	vadd.f32 v14, v13;
	v35 =	vmul.f32 v10, v7  }
0x180: {  	v38 =	vand.u32 $0xFFFF0000, v9;
	v39 =	vld [tilespmem:s0+$0x196A0];
	v14 =	vmul.f32 v37, v5;
	v12 =	vadd.f32 v33, v12  }
0x181: {  	v4 =	vsub.f32 $1.000000000e+00, v4;
	v17 =	vld [tilespmem:s0+$0x198A0];
	v40 =	vmul.f32 v38, v5;
	v7 =	vadd.f32 v35, v13  }
0x182: {  	v41 =	vld [tilespmem:s0+$0x19AA0];
	v42 =	vadd.f32 $1.000000010e-10, v0;
	v12 =	vadd.f32 v14, v12  }
0x183: {  	v43 =	vpop (erf);
	v11 =	vmul.f32 $1.000000000e+04, v11;
	v5 =	vadd.f32 v40, v7  }
0x184: {  	v44 =	vld [tilespmem:s0+$0x19CA0];
	v13 =	vadd.f32 v4, v42;
	v12 =	vmul.f32 v12, v43  }
0x185: {  	v18 =	vld [tilespmem:s0+$0x1C2A0];
	v16 =	vmul.f32 $1.000000000e+04, v34;
	v11 =	vsub.f32 $1.000000000e+00, v11;
	v5 =	vmul.f32 v5, v43  }
0x186: {  	v45 =	vld [tilespmem:s0+$0x19EA0];
	[tilespmem:s5+$0x1CCA0] =	vst v12  }
0x187: {  	v10 =	vmul.f32 $1.000000000e+04, v36;
	v16 =	vsub.f32 $1.000000000e+00, v16;
	v13 =	vadd.f32 v11, v13;
	[tilespmem:s5+$0x1CAA0] =	vst v5  }
0x188: {  	v12 =	vld.idx.msk [tilespmem:v39+s4+$0x0], $0xffff  }
0x189: {  	v8 =	vmul.f32 $1.000000000e+04, v8;
	v10 =	vsub.f32 $1.000000000e+00, v10;
	v46 =	vadd.f32 v16, v13;
	v48 =	vld.idx.msk [tilespmem:v17+s4+$0x0], $0xffff  }
0x18a: {  	v6 =	vmul.f32 $1.000000000e+04, v6;
	v47 =	vmul.f32 $1.000000000e+04, v18;
	v9 =	vld.idx.msk [tilespmem:v41+s4+$0x0], $0xffff  }
0x18b: {  	v8 =	vsub.f32 $1.000000000e+00, v8;
	v5 =	vadd.f32 v10, v46  }
0x18c: {  	v6 =	vsub.f32 $1.000000000e+00, v6;
	v13 =	vsub.f32 $1.000000000e+00, v47  }
0x18d: {  	v14 =	vld.idx.msk [tilespmem:v44+s4+$0x0], $0xffff;
	v5 =	vadd.f32 v8, v5;
	v49 =	vand.u32 $0xFFFF0000, v12;
	v12 =	vshll.u32 v12, $0x10  }
0x18e: {  	v51 =	vand.u32 $0xFFFF0000, v48;
	v15 =	vshll.u32 v48, $0x10;
	v50 =	vmul.f32 v12, v0  }
0x18f: {  	v52 =	vshll.u32 v9, $0x10;
	v5 =	vadd.f32 v13, v5;
	v17 =	vmul.f32 v49, v0  }
0x190: {  	v7 =	vld.idx.msk [tilespmem:v45+s4+$0x0], $0xffff;
	v53 =	vand.u32 $0xFFFF0000, v9;
	v15 =	vmul.f32 v15, v4;
	v0 =	vadd.f32 $0.0e+00, v50  }
0x191: {  	v4 =	vmul.f32 v51, v4;
	v5 =	vadd.f32 v6, v5;
	v17 =	vadd.f32 $0.0e+00, v17  }
0x192: {  	v3 =	vld.idx.msk [tilespmem:v3+s4+$0x0], $0xffff;
	v55 =	vshll.u32 v14, $0x10;
	v54 =	vmul.f32 v52, v11;
	v0 =	vadd.f32 v15, v0  }
0x193: {  	(erf) = vrcp.f32 v5;
	v4 =	vadd.f32 v4, v17;
	v5 =	vmul.f32 v53, v11  }
0x194: {  	v2 =	vld.idx.msk [tilespmem:v2+s4+$0x0], $0xffff;
	v56 =	vand.u32 $0xFFFF0000, v14;
	v11 =	vmul.f32 v55, v16;
	v0 =	vadd.f32 v54, v0  }
0x195: {  	v58 =	vshll.u32 v7, $0x10;
	v57 =	vmul.f32 v56, v16;
	v4 =	vadd.f32 v5, v4  }
0x196: {  	v1 =	vld.idx.msk [tilespmem:v1+s4+$0x0], $0xffff;
	v7 =	vand.u32 $0xFFFF0000, v7;
	v9 =	vmul.f32 v58, v10;
	v0 =	vadd.f32 v11, v0  }
0x197: {  	v60 =	vshll.u32 v3, $0x10;
	v59 =	vmul.f32 v7, v10;
	v4 =	vadd.f32 v57, v4  }
0x198: {  	v3 =	vand.u32 $0xFFFF0000, v3;
	v7 =	vmul.f32 v60, v8;
	v0 =	vadd.f32 v9, v0  }
0x199: {  	v61 =	vshll.u32 v2, $0x10;
	v3 =	vmul.f32 v3, v8;
	v4 =	vadd.f32 v59, v4  }
0x19a: {  	v2 =	vand.u32 $0xFFFF0000, v2;
	v5 =	vmul.f32 v61, v13;
	v0 =	vadd.f32 v7, v0  }
0x19b: {  	v62 =	vshll.u32 v1, $0x10;
	v2 =	vmul.f32 v2, v13;
	v3 =	vadd.f32 v3, v4  }
0x19c: {  	v1 =	vand.u32 $0xFFFF0000, v1;
	v4 =	vmul.f32 v62, v6;
	v0 =	vadd.f32 v5, v0  }
0x19d: {  	v1 =	vmul.f32 v1, v6;
	v2 =	vadd.f32 v2, v3  }
0x19e: {  	v0 =	vadd.f32 v4, v0  }
0x19f: {  	v63 =	vpop (erf);
	v1 =	vadd.f32 v1, v2  }
0x1a0: {  	v0 =	vmul.f32 v0, v63  }
0x1a1: {  	v1 =	vmul.f32 v1, v63  }
0x1a2: {  	s30 =	sshll.u32 s30, $0x7;
	[tilespmem:s0+$0x1CCA0] =	vst v0  }
.Ltmp10:
0x1a3: {  	s31 =	sadd.s32 s3, s30;
	[tilespmem:s0+$0x1CAA0] =	vst v1;
	(pc) =	sbr.rel .LBB2_16-.Ltmp10, $4  }
0x1a4: {  	[hbm4b:s31+s4] =	stream.linear.scatter [tilespmem:s24], [sflag:$0x6], $0x400, $0x38;
	[tilespmem:$0x1D2A0] =	vst v63  }
0x1a5: {  	_ =	swait.ge [sflag:s21], $0x400  }
0x1a6: {  	[sflag:s21] =	ssyncset.done $0x0  }
0x1a7: {  	[sflag:s21] =	ssyncadd.s32 $0xFFFFFC00  }
.LBB2_13:
0x1a8: {  	v0 =	vld [tilespmem:s5+$0x1C4A0]  }
0x1a9: {  	v1 =	vld [tilespmem:s5+$0x1A4A0]  }
0x1aa: {  	v2 =	vld [tilespmem:s5+$0x1C2A0]  }
0x1ab: {  	v3 =	vld [tilespmem:s5+$0x1A2A0]  }
0x1ac: {  	v4 =	vld [tilespmem:s5+$0x1C0A0]  }
0x1ad: {  	v5 =	vld [tilespmem:s5+$0x1A0A0]  }
0x1ae: {  	v6 =	vld [tilespmem:s5+$0x1BEA0]  }
0x1af: {  	v7 =	vld [tilespmem:s5+$0x19EA0]  }
0x1b0: {  	v8 =	vld [tilespmem:s5+$0x19CA0]  }
0x1b1: {  	v9 =	vld [tilespmem:s5+$0x19AA0]  }
0x1b2: {  	v10 =	vld [tilespmem:s5+$0x1B6A0]  }
0x1b3: {  	v11 =	vld [tilespmem:s5+$0x196A0]  }
0x1b4: {  	v12 =	vld [tilespmem:s5+$0x198A0]  }
0x1b5: {  	v15 =	vld [tilespmem:s5+$0x1B8A0];
	v14 =	vxor.u32 $0xFFFFFFFF, v1;
	v13 =	vxor.u32 $0xFFFFFFFF, v5;
	v16 =	vxor.u32 $0xFFFFFFFF, v3  }
0x1b6: {  	v18 =	vld [tilespmem:s5+$0x1BAA0];
	v17 =	vxor.u32 $0xFFFFFFFF, v7;
	v19 =	vxor.u32 $0xFFFFFFFF, v8;
	v0 =	vmul.f32 $1.000000000e+04, v0  }
0x1b7: {  	v20 =	vshra.s32 v1, $0x1;
	v21 =	vxor.u32 $0xFFFFFFFF, v9;
	v22 =	vmul.f32 $1.000000000e+04, v2  }
0x1b8: {  	v1 =	vmul.f32 $1.000000000e+04, v10;
	v2 =	vshra.s32 v11, $0x1;
	v23 =	vshra.s32 v3, $0x1  }
0x1b9: {  	v10 =	vld [tilespmem:s5+$0x1BCA0];
	v3 =	vxor.u32 $0xFFFFFFFF, v12;
	v4 =	vmul.f32 $1.000000000e+04, v4;
	v12 =	vshra.s32 v12, $0x1  }
0x1ba: {  	v6 =	vmul.f32 $1.000000000e+04, v6;
	v24 =	vsub.f32 $1.000000000e+00, v1;
	v1 =	vmul.f32 $1.000000000e+04, v15  }
0x1bb: {  	v9 =	vshra.s32 v9, $0x1;
	v11 =	vxor.u32 $0xFFFFFFFF, v11;
	v15 =	vmul.f32 $1.000000000e+04, v18  }
0x1bc: {  	v18 =	vshra.s32 v5, $0x1;
	v5 =	vadd.f32 $1.000000010e-10, v24;
	v25 =	vsub.f32 $1.000000000e+00, v1  }
0x1bd: {  	v7 =	vshra.s32 v7, $0x1;
	v16 =	vshll.u32 v16, $0x4;
	v19 =	vshll.u32 v19, $0x4  }
0x1be: {  	v15 =	vsub.f32 $1.000000000e+00, v15;
	v10 =	vmul.f32 $1.000000000e+04, v10;
	v26 =	vld.idx.msk [tilespmem:v2+s4+$0x0], $0xffff;
	v2 =	vadd.f32 v25, v5  }
0x1bf: {  	s0 =	simm.s32 $0x10;
	v11 =	vshll.u32 v11, $0x4;
	v5 =	vshra.s32 v8, $0x1;
	v8 =	vld.idx.msk [tilespmem:v12+s4+$0x0], $0xffff;
	v12 =	vshll.u32 v17, $0x4  }
0x1c0: {  	v1 =	vld [tilespmem:s0+$0x1C4A0];
	v17 =	vshll.u32 v13, $0x4;
	v10 =	vsub.f32 $1.000000000e+00, v10;
	v13 =	vadd.f32 v15, v2  }
0x1c1: {  	v27 =	vshll.u32 v3, $0x4;
	v21 =	vshll.u32 v21, $0x4;
	v28 =	vsub.f32 $1.000000000e+00, v6;
	v9 =	vld.idx.msk [tilespmem:v9+s4+$0x0], $0xffff  }
0x1c2: {  	v3 =	vand.u32 $0x10, v11;
	v61 =	vsub.f32 $1.000000000e+00, v4;
	v62 =	vld.idx.msk [tilespmem:v7+s4+$0x0], $0xffff;
	v11 =	vadd.f32 v10, v13  }
0x1c3: {  	v4 =	vand.u32 $0x10, v27;
	v12 =	vand.u32 $0x10, v12;
	v2 =	vld [tilespmem:s0+$0x1A4A0];
	v6 =	vshll.u32 v26, v3  }
0x1c4: {  	v13 =	vld.idx.msk [tilespmem:v5+s4+$0x0], $0xffff;
	v5 =	vsub.f32 $1.000000000e+00, v0;
	v0 =	vand.u32 $0xFFFF0000, v6;
	v6 =	vadd.f32 v28, v11  }
0x1c5: {  	v3 =	vld [tilespmem:s0+$0x1C2A0];
	v8 =	vshll.u32 v8, v4;
	v0 =	vmul.f32 v0, v24;
	v11 =	vsub.f32 $1.000000000e+00, v22  }
0x1c6: {  	v4 =	vld [tilespmem:s0+$0x1A2A0];
	v7 =	vand.u32 $0xFFFF0000, v8;
	v8 =	vand.u32 $0x10, v21;
	v63 =	vadd.f32 v61, v6  }
0x1c7: {  	v7 =	vmul.f32 v7, v25;
	v8 =	vshll.u32 v9, v8;
	v9 =	vld.idx.msk [tilespmem:v18+s4+$0x0], $0xffff;
	v0 =	vadd.f32 $0.0e+00, v0  }
0x1c8: {  	v18 =	vand.u32 $0x10, v19;
	v6 =	vld [tilespmem:s0+$0x1C0A0];
	v8 =	vand.u32 $0xFFFF0000, v8;
	v19 =	vadd.f32 v11, v63  }
0x1c9: {  	v8 =	vmul.f32 v8, v15;
	v0 =	vadd.f32 v7, v0;
	v13 =	vshll.u32 v13, v18;
	v18 =	vld.idx.msk [tilespmem:v23+s4+$0x0], $0xffff  }
0x1ca: {  	v17 =	vand.u32 $0x10, v17;
	v7 =	vld [tilespmem:s0+$0x1A0A0];
	v13 =	vand.u32 $0xFFFF0000, v13;
	v15 =	vadd.f32 v5, v19  }
0x1cb: {  	v0 =	vadd.f32 v8, v0;
	v19 =	vmul.f32 v13, v10;
	v8 =	vshll.u32 v62, v12;
	v13 =	vld.idx.msk [tilespmem:v20+s4+$0x0], $0xffff  }
0x1cc: {  	v10 =	vld [tilespmem:s0+$0x1BEA0];
	v20 =	vshll.u32 v14, $0x4;
	v12 =	vand.u32 $0xFFFF0000, v8;
	(erf) = vrcp.f32 v15  }
0x1cd: {  	v14 =	vld [tilespmem:s0+$0x1B6A0];
	v0 =	vadd.f32 v19, v0;
	v15 =	vmul.f32 v12, v28;
	v12 =	vshll.u32 v9, v17  }
0x1ce: {  	v8 =	vld [tilespmem:s0+$0x19EA0];
	v19 =	vand.u32 $0x10, v16;
	v17 =	vand.u32 $0xFFFF0000, v12  }
0x1cf: {  	v9 =	vld [tilespmem:s0+$0x19CA0];
	v15 =	vadd.f32 v15, v0;
	v16 =	vmul.f32 v17, v61;
	v17 =	vshll.u32 v18, v19  }
0x1d0: {  	s14 =	simm.s32 $0x80;
	v12 =	vld [tilespmem:s0+$0x19AA0];
	v0 =	vxor.u32 $0xFFFFFFFF, v2;
	v18 =	vand.u32 $0x10, v20;
	v17 =	vand.u32 $0xFFFF0000, v17  }
.LBB2_14:
0x1d1: {  	p1 =	sne.s32 s14, $0x7C0;
	v19 =	vld [tilespmem:s0+$0x196A0];
	v15 =	vadd.f32 v16, v15;
	v11 =	vmul.f32 v17, v11;
	v13 =	vshll.u32 v13, v18  }
0x1d2: {  	v17 =	vxor.u32 $0xFFFFFFFF, v7;
	v18 =	vxor.u32 $0xFFFFFFFF, v4;
	v16 =	vld [tilespmem:s0+$0x198A0];
	v13 =	vand.u32 $0xFFFF0000, v13  }
0x1d3: {  	v21 =	vxor.u32 $0xFFFFFFFF, v8;
	v20 =	vld [tilespmem:s0+$0x1B8A0];
	v11 =	vadd.f32 v11, v15;
	v5 =	vmul.f32 v13, v5  }
0x1d4: {  	v22 =	vmul.f32 $1.000000000e+04, v1;
	v23 =	vshra.s32 v2, $0x1;
	v15 =	vxor.u32 $0xFFFFFFFF, v9;
	v13 =	vld [tilespmem:s0+$0x1BAA0]  }
0x1d5: {  	v2 =	vxor.u32 $0xFFFFFFFF, v12;
	v24 =	vmul.f32 $1.000000000e+04, v3;
	v1 =	vadd.f32 v5, v11;
	v3 =	vpop (erf)  }
0x1d6: {  	v25 =	vshra.s32 v4, $0x1;
	v5 =	vmul.f32 $1.000000000e+04, v14;
	v11 =	vshra.s32 v19, $0x1;
	v14 =	vld [tilespmem:s0+$0x1BCA0]  }
0x1d7: {  	v6 =	vmul.f32 $1.000000000e+04, v6;
	v4 =	vxor.u32 $0xFFFFFFFF, v16;
	v1 =	vmul.f32 v1, v3  }
0x1d8: {  	v26 =	vsub.f32 $1.000000000e+00, v5;
	v5 =	vshra.s32 v16, $0x1;
	v3 =	vmul.f32 $1.000000000e+04, v20  }
0x1d9: {  	v10 =	vmul.f32 $1.000000000e+04, v10;
	v7 =	vshra.s32 v7, $0x1;
	v13 =	vmul.f32 $1.000000000e+04, v13;
	[tilespmem:s5+$0x1D0A0] =	vst v1;
	s5 =	smov.u32 s0  }
0x1da: {  	v1 =	vadd.f32 $1.000000010e-10, v26;
	v16 =	vsub.f32 $1.000000000e+00, v3;
	v3 =	vshra.s32 v12, $0x1  }
0x1db: {  	v8 =	vshra.s32 v8, $0x1;
	v12 =	vxor.u32 $0xFFFFFFFF, v19;
	v11 =	vld.idx.msk [tilespmem:v11+s4+$0x0], $0xffff;
	v14 =	vmul.f32 $1.000000000e+04, v14  }
0x1dc: {  	v9 =	vshra.s32 v9, $0x1;
	v13 =	vsub.f32 $1.000000000e+00, v13;
	v19 =	vadd.f32 v16, v1  }
0x1dd: {  	v21 =	vshll.u32 v21, $0x4;
	v17 =	vshll.u32 v17, $0x4;
	v18 =	vshll.u32 v18, $0x4;
	s0 =	sshra.s32 s14, $0x2;
	v20 =	vld.idx.msk [tilespmem:v5+s4+$0x0], $0xffff  }
0x1de: {  	v15 =	vshll.u32 v15, $0x4;
	v14 =	vsub.f32 $1.000000000e+00, v14;
	v1 =	vld [tilespmem:s0+$0x1C4A0];
	v5 =	vadd.f32 v13, v19  }
0x1df: {  	v27 =	vshll.u32 v2, $0x4;
	v4 =	vshll.u32 v4, $0x4;
	v12 =	vshll.u32 v12, $0x4;
	v19 =	vld.idx.msk [tilespmem:v3+s4+$0x0], $0xffff  }
0x1e0: {  	v28 =	vsub.f32 $1.000000000e+00, v10;
	v3 =	vand.u32 $0x10, v12;
	v2 =	vld [tilespmem:s0+$0x1A4A0];
	v12 =	vadd.f32 v14, v5  }
0x1e1: {  	v29 =	vsub.f32 $1.000000000e+00, v6;
	v10 =	vshll.u32 v11, v3;
	v5 =	vsub.f32 $1.000000000e+00, v22;
	v9 =	vld.idx.msk [tilespmem:v9+s4+$0x0], $0xffff  }
0x1e2: {  	v4 =	vand.u32 $0x10, v4;
	v6 =	vand.u32 $0xFFFF0000, v10;
	v3 =	vld [tilespmem:s0+$0x1C2A0];
	v10 =	vadd.f32 v28, v12  }
0x1e3: {  	v11 =	vsub.f32 $1.000000000e+00, v24;
	v6 =	vmul.f32 v6, v26;
	v12 =	vshll.u32 v20, v4;
	v8 =	vld.idx.msk [tilespmem:v8+s4+$0x0], $0xffff  }
0x1e4: {  	v20 =	vand.u32 $0x10, v27;
	v12 =	vand.u32 $0xFFFF0000, v12;
	v4 =	vld [tilespmem:s0+$0x1A2A0];
	v10 =	vadd.f32 v29, v10  }
0x1e5: {  	v22 =	vadd.f32 $0.0e+00, v6;
	v12 =	vmul.f32 v12, v16;
	v16 =	vshll.u32 v19, v20;
	v19 =	vld.idx.msk [tilespmem:v7+s4+$0x0], $0xffff  }
0x1e6: {  	v15 =	vand.u32 $0x10, v15;
	v7 =	vand.u32 $0xFFFF0000, v16;
	v6 =	vld [tilespmem:s0+$0x1C0A0];
	v10 =	vadd.f32 v11, v10  }
0x1e7: {  	v12 =	vadd.f32 v12, v22;
	v13 =	vmul.f32 v7, v13;
	v9 =	vshll.u32 v9, v15;
	v20 =	vld.idx.msk [tilespmem:v25+s4+$0x0], $0xffff  }
0x1e8: {  	v15 =	vand.u32 $0x10, v21;
	v9 =	vand.u32 $0xFFFF0000, v9;
	v7 =	vld [tilespmem:s0+$0x1A0A0];
	v16 =	vadd.f32 v5, v10  }
0x1e9: {  	v12 =	vadd.f32 v13, v12;
	v9 =	vmul.f32 v9, v14;
	v8 =	vshll.u32 v8, v15;
	v13 =	vld.idx.msk [tilespmem:v23+s4+$0x0], $0xffff  }
.Ltmp11:
0x1ea: {  	v15 =	vand.u32 $0x10, v17;
	v14 =	vand.u32 $0xFFFF0000, v8;
	v10 =	vld [tilespmem:s0+$0x1BEA0];
	(erf) = vrcp.f32 v16;
	(pc) =	sbr.rel @p1 .LBB2_14-.Ltmp11, $4  }
0x1eb: {  	v16 =	vadd.f32 v9, v12;
	v14 =	vmul.f32 v14, v28;
	v12 =	vshll.u32 v19, v15;
	v8 =	vld [tilespmem:s0+$0x19EA0]  }
0x1ec: {  	v18 =	vand.u32 $0x10, v18;
	v19 =	vshll.u32 v0, $0x4;
	v17 =	vand.u32 $0xFFFF0000, v12;
	v9 =	vld [tilespmem:s0+$0x19CA0]  }
0x1ed: {  	v15 =	vadd.f32 v14, v16;
	v16 =	vmul.f32 v17, v29;
	v17 =	vshll.u32 v20, v18;
	v12 =	vld [tilespmem:s0+$0x19AA0]  }
0x1ee: {  	s14 =	sadd.s32 $0x40, s14;
	v0 =	vxor.u32 $0xFFFFFFFF, v2;
	v18 =	vand.u32 $0x10, v19;
	v17 =	vand.u32 $0xFFFF0000, v17;
	v14 =	vld [tilespmem:s0+$0x1B6A0]  }
.Ltmp12:
0x1ef: {  	_ = 	snop;
	(pc) =	sbr.rel .LBB2_15-.Ltmp12, $1  }
0x1f0: {  	_ =	sdelay $0x3  }
.LBB2_18:
0x1f1: {  	_ =	sfence.sel $0x180000  }
0x1f2: {  	[bflag:$0x0] =	sbarrier.arrive $0xFFFF  }
0x1f3: {  	_ =	strace $0x90000047  }
0x1f4: {  	s0 =	stileid.u32;
	[bflag:$0x2] =	sbarrier.arrive $0xFFFF  }
0x1f5: {  	p0 =	sne.s32 s0, $0x0;
	s0 =	rddreg [dreg:$0x4]  }
0x1f6: {  	s0 =	sadd.s32 @!p0 $0x100000, s0  }
0x1f7: {  	[sflag:s0] =	ssyncadd.tile.s32 @!p0 $0x1;
	_ =	shalt  }
.Lfunc_end2:
_tile_overlayer_lowered:
.L_overlay_start_2:
0x1f8: {  	(tag) =	ssettag $0x2  }
0x1f9: {  	s0 =	rddreg [dreg:$0x0];
	s2 =	stileid.u32  }
0x1fa: {  	s1 =	rddreg [dreg:$0x1];
	p0 =	sne.s32 s2, $0x0  }
0x1fb: {  	s3 =	rddreg [dreg:$0x2];
	[bflag:$0x3] =	sbarrier.arrive $0xFFFF;
	s2 =	simm.s32 @!p0 $0x1C05  }
0x1fc: {  	[timem:s3], [sflag:s2] =	dma.local @!p0 [hbm:s0], s1  }
0x1fd: {  	s0 =	simm.s32 @!p0 $0x5  }
0x1fe: {  	_ =	swait.ge @!p0 [sflag:s0], s1  }
0x1ff: {  	s1 =	ssub.s32 @!p0 $0x0, s1;
	[sflag:s0] =	ssyncset.done @!p0 $0x0  }
0x200: {  	[sflag:s0] =	ssyncadd.s32 @!p0 s1  }
0x201: {  	[bflag:$0x3] =	sbarrier.arrive $0xFFFF  }
0x202: {  	_ =	shalt  }

</sc_bundles>
